<compile_context>
chip_gen: v7x
topology: tpu7x:2x2x1
jax: 0.10.2.dev20260603
libtpu: 0.0.44.dev20260713+nightly
codegen_flags: <defaults>
</compile_context>

<pallas_src>
import functools

import jax
import jax.numpy as jnp
from jax import lax
from jax.experimental import pallas as pl
from jax.experimental.pallas import tpu as pltpu
from jax.experimental.pallas import tpu_sc as plsc

N = 10000
E = 320000
D = 128
G = 16

NC = 2
NS = 16
NW = NC * NS
CHUNK = 128
EPW = E // NW
NCHUNK = -(-EPW // CHUNK)
EPW_PAD = NCHUNK * CHUNK
E_PAD = EPW_PAD * NW
ACC_ROWS = 10240
RPT = ACC_ROWS // NS
ORT = N // NS
DEG_W = 4

BS = 2000
NB = N // BS


def _sc_agg_body(with_deg, *refs):
    if with_deg:
        (x_hbm, eidx_hbm, zrow_hbm, zdeg_hbm, ones_hbm,
         part_hbm, degp_hbm,
         idx_v, rows_v, ones_v, acc_sh, deg_sh, sem_g, sem_i) = refs
    else:
        (x_hbm, eidx_hbm, zrow_hbm,
         part_hbm,
         idx_v, rows_v, acc_sh, sem_g, sem_i) = refs

    c = lax.axis_index("c")
    s = lax.axis_index("s")
    wid = c * NS + s

    pltpu.sync_copy(zrow_hbm, acc_sh.at[pl.ds(s * RPT, RPT)])
    if with_deg:
        pltpu.sync_copy(zdeg_hbm, deg_sh.at[pl.ds(s * RPT, RPT)])
        pltpu.sync_copy(ones_hbm, ones_v)

    pltpu.async_copy(eidx_hbm.at[wid, 0], idx_v.at[0], sem_i)
    pltpu.async_copy(eidx_hbm.at[wid, 1], idx_v.at[1], sem_i)

    plsc.subcore_barrier()

    pltpu.make_async_copy(eidx_hbm.at[wid, 0], idx_v.at[0], sem_i).wait()
    pltpu.async_copy(x_hbm.at[idx_v.at[0, 0]], rows_v.at[0], sem_g)

    def chunk_body(j, carry):
        buf = lax.rem(j, 2)
        slot = lax.rem(j, 4)

        @pl.when(j + 1 < NCHUNK)
        def _():
            nslot = lax.rem(j + 1, 4)
            pltpu.make_async_copy(eidx_hbm.at[wid, j + 1], idx_v.at[nslot],
                                  sem_i).wait()
            pltpu.async_copy(x_hbm.at[idx_v.at[nslot, 0]],
                             rows_v.at[1 - buf], sem_g)

            @pl.when(j + 2 < NCHUNK)
            def _():
                pltpu.async_copy(eidx_hbm.at[wid, j + 2],
                                 idx_v.at[lax.rem(j + 2, 4)], sem_i)

        pltpu.make_async_copy(x_hbm.at[idx_v.at[slot, 0]], rows_v.at[buf],
                              sem_g).wait()
        pltpu.sync_copy(rows_v.at[buf], acc_sh.at[idx_v.at[slot, 1]],
                        add=True)
        if with_deg:
            pltpu.sync_copy(ones_v, deg_sh.at[idx_v.at[slot, 1]], add=True)
        return carry

    lax.fori_loop(0, NCHUNK, chunk_body, 0)

    plsc.subcore_barrier()

    pltpu.sync_copy(acc_sh.at[pl.ds(s * RPT, RPT)],
                    part_hbm.at[c, pl.ds(s * RPT, RPT)])
    if with_deg:
        pltpu.sync_copy(deg_sh.at[pl.ds(s * RPT, RPT)],
                        degp_hbm.at[c, pl.ds(s * RPT, RPT)])


def _make_sc_agg(with_deg):
    mesh = plsc.VectorSubcoreMesh(core_axis_name="c", subcore_axis_name="s")
    part_t = jax.ShapeDtypeStruct((NC, ACC_ROWS, D), jnp.float32)
    out_type = [part_t] if with_deg else part_t
    scratch = [
        pltpu.VMEM((4, 2, CHUNK), jnp.int32),
        pltpu.VMEM((2, CHUNK, D), jnp.float32),
    ]
    if with_deg:
        out_type.append(jax.ShapeDtypeStruct((NC, ACC_ROWS), jnp.float32))
        scratch.append(pltpu.VMEM((CHUNK,), jnp.float32))
    scratch.append(pltpu.VMEM_SHARED((ACC_ROWS, D), jnp.float32))
    if with_deg:
        scratch.append(pltpu.VMEM_SHARED((ACC_ROWS,), jnp.float32))
    scratch.append(pltpu.SemaphoreType.DMA)
    scratch.append(pltpu.SemaphoreType.DMA)
    return pl.kernel(
        functools.partial(_sc_agg_body, with_deg),
        out_type=out_type,
        mesh=mesh,
        scratch_types=scratch,
    )


_sc_agg_deg = _make_sc_agg(True)
_sc_agg = _make_sc_agg(False)


def _rowmat(a, b):
    return lax.dot_general(a, b, (((1,), (1,)), ((), ())),
                           preferred_element_type=jnp.float32)


def _tc1_body(p0, p1, dall, x, w_l, b_l, w_r, h_ref):
    d = jnp.sum(dall[...], axis=1, keepdims=True)
    agg = (p0[...][0] + p1[...][0]) / jnp.maximum(d, 1.0)
    z = _rowmat(agg, w_l[...]) + _rowmat(x[...], w_r[...]) + b_l[...]
    h_ref[...] = jnp.maximum(z, 0.0)


def _tc2_body(q0, q1, dall, h1, b3, w_l, b_l, w_r, wfc, bfc,
              out_ref, sums, cnts):
    i = pl.program_id(0)
    d = jnp.sum(dall[...], axis=1, keepdims=True)
    agg = (q0[...][0] + q1[...][0]) / jnp.maximum(d, 1.0)
    z = _rowmat(agg, w_l[...]) + _rowmat(h1[...], w_r[...]) + b_l[...]
    h2 = jnp.maximum(z, 0.0)

    b = b3[...][0, 0, :]
    m = (lax.broadcasted_iota(jnp.int32, (G, BS), 0)
         == b[None, :]).astype(jnp.float32)
    ps = lax.dot_general(m, h2, (((1,), (0,)), ((), ())),
                         precision=lax.Precision.HIGHEST,
                         preferred_element_type=jnp.float32)
    pc = lax.dot_general(m, jnp.ones((BS, D), jnp.float32),
                         (((1,), (0,)), ((), ())),
                         preferred_element_type=jnp.float32)

    @pl.when(i == 0)
    def _():
        sums[...] = ps
        cnts[...] = pc

    @pl.when(i > 0)
    def _():
        sums[...] += ps
        cnts[...] += pc

    @pl.when(i == NB - 1)
    def _():
        pooled = sums[...] / jnp.maximum(cnts[...], 1.0)
        out_ref[...] = jnp.sum(pooled * wfc[...], axis=1) + bfc[0]


_row_spec = pl.BlockSpec((BS, D), lambda i: (i, 0))
_p0_spec = pl.BlockSpec((1, BS, D), lambda i: (0, i, 0))
_p1_spec = pl.BlockSpec((1, BS, D), lambda i: (1, i, 0))
_deg_spec = pl.BlockSpec((BS, NC), lambda i: (i, 0))
_w_spec = pl.BlockSpec((D, D), lambda i: (0, 0))
_b_spec = pl.BlockSpec((D,), lambda i: (0,))

_tc1 = pl.pallas_call(
    _tc1_body,
    grid=(NB,),
    in_specs=[_p0_spec, _p1_spec, _deg_spec, _row_spec,
              _w_spec, _b_spec, _w_spec],
    out_specs=_row_spec,
    out_shape=jax.ShapeDtypeStruct((N, D), jnp.float32),
)

_tc2 = pl.pallas_call(
    _tc2_body,
    grid=(NB,),
    in_specs=[_p0_spec, _p1_spec, _deg_spec, _row_spec,
              pl.BlockSpec((1, 1, BS), lambda i: (i, 0, 0)),
              _w_spec, _b_spec, _w_spec,
              pl.BlockSpec((1, D), lambda i: (0, 0)),
              pl.BlockSpec(memory_space=pltpu.MemorySpace.SMEM)],
    out_specs=pl.BlockSpec((G,), lambda i: (0,)),
    out_shape=jax.ShapeDtypeStruct((G,), jnp.float32),
    scratch_shapes=[pltpu.VMEM((G, D), jnp.float32),
                    pltpu.VMEM((G, D), jnp.float32)],
)


def kernel(x, edge_index, batch, W1_l, b1_l, W1_r, W2_l, b2_l, W2_r,
           W_fc, b_fc):
    src = edge_index[0]
    dst = edge_index[1]
    pad = E_PAD - E
    padi = jnp.arange(pad, dtype=jnp.int32)
    src_p = jnp.concatenate([src, padi % N]).reshape(NW, NCHUNK, 1, CHUNK)
    dst_p = jnp.concatenate([dst, N + padi % (ACC_ROWS - N)]
                            ).reshape(NW, NCHUNK, 1, CHUNK)
    eidx = jnp.concatenate([src_p, dst_p], axis=2)
    zrow = jnp.zeros((RPT, D), jnp.float32)
    zdeg = jnp.zeros((RPT,), jnp.float32)
    ones = jnp.ones((CHUNK,), jnp.float32)

    part1, degp = _sc_agg_deg(x, eidx, zrow, zdeg, ones)
    degT = degp[:, :N].T
    h1 = _tc1(part1, part1, degT, x, W1_l, b1_l, W1_r)
    part2 = _sc_agg(h1, eidx, zrow)
    b3 = batch.reshape(NB, 1, BS)
    out = _tc2(part2, part2, degT, h1, b3,
               W2_l, b2_l, W2_r, W_fc, b_fc)
    return out

# --- scband reference (transcript-rebuilt; emitter-appended) ---
"""Pipeline reference for scband-sagepredictor-10488310137590 (READ-ONLY COPY).

The authoritative reference and input builder live on the scoring server;
editing this copy changes nothing except your own understanding.
"""

import jax, jax.numpy as jnp
import numpy as np

N = 10000
E = 320000
D = 128
H = 128
G = 16


def setup_inputs(seed: int = 0) -> dict:
    key = jax.random.key(seed)
    ks = jax.random.split(key, 12)
    x = jax.random.normal(ks[0], (N, D), dtype=jnp.float32)
    edge_index = jax.random.randint(ks[1], (2, E), 0, N, dtype=jnp.int32)
    batch = jnp.sort(jax.random.randint(ks[2], (N,), 0, G, dtype=jnp.int32))
    s_in = 1.0 / np.sqrt(D)
    s_h = 1.0 / np.sqrt(H)
    # SAGEConv1: lin_l (aggregated neighbors, with bias), lin_r (self, no bias)
    W1_l = jax.random.uniform(ks[3], (H, D), jnp.float32, -s_in, s_in)
    b1_l = jax.random.uniform(ks[4], (H,), jnp.float32, -s_in, s_in)
    W1_r = jax.random.uniform(ks[5], (H, D), jnp.float32, -s_in, s_in)
    # SAGEConv2
    W2_l = jax.random.uniform(ks[6], (H, H), jnp.float32, -s_h, s_h)
    b2_l = jax.random.uniform(ks[7], (H,), jnp.float32, -s_h, s_h)
    W2_r = jax.random.uniform(ks[8], (H, H), jnp.float32, -s_h, s_h)
    # final fc
    W_fc = jax.random.uniform(ks[9], (1, H), jnp.float32, -s_h, s_h)
    b_fc = jax.random.uniform(ks[10], (1,), jnp.float32, -s_h, s_h)
    return {"x": x, "edge_index": edge_index, "batch": batch,
            "W1_l": W1_l, "b1_l": b1_l, "W1_r": W1_r,
            "W2_l": W2_l, "b2_l": b2_l, "W2_r": W2_r,
            "W_fc": W_fc, "b_fc": b_fc}


def _sage_conv(x, edge_index, W_l, b_l, W_r):
    # PyG SAGEConv(aggr='mean'): out = lin_l(mean_{j in N(i)} x_j) + lin_r(x_i)
    src = edge_index[0]
    dst = edge_index[1]
    n = x.shape[0]
    msgs = jnp.take(x, src, axis=0)
    agg_sum = jax.ops.segment_sum(msgs, dst, num_segments=n)
    deg = jax.ops.segment_sum(jnp.ones((edge_index.shape[1],), x.dtype), dst, num_segments=n)
    agg = agg_sum / jnp.maximum(deg, 1.0)[:, None]
    return agg @ W_l.T + b_l + x @ W_r.T


def reference(x, edge_index, batch, W1_l, b1_l, W1_r, W2_l, b2_l, W2_r, W_fc, b_fc):
    h = jax.nn.relu(_sage_conv(x, edge_index, W1_l, b1_l, W1_r))
    h = jax.nn.relu(_sage_conv(h, edge_index, W2_l, b2_l, W2_r))
    # global_mean_pool over batch assignment
    sums = jax.ops.segment_sum(h, batch, num_segments=G)
    cnts = jax.ops.segment_sum(jnp.ones((h.shape[0],), h.dtype), batch, num_segments=G)
    pooled = sums / jnp.maximum(cnts, 1.0)[:, None]
    out = pooled @ W_fc.T + b_fc
    return out.squeeze(-1)

if __name__ == "__main__":
    import jax
    _d = setup_inputs()
    print(jax.jit(kernel)(*tuple(_d.values())))

</pallas_src>

<mosaic_0001>
#map = affine_map<(d0, d1) -> (0, 0)>
#map1 = affine_map<(d0, d1) -> (0, 0, 0, 0)>
#map2 = affine_map<(d0, d1) -> (0)>
#map3 = affine_map<(d0, d1) -> (0, 0, 0)>
module attributes {stable_mosaic.version = 14 : i64} {
  func.func @_sc_agg_body(%arg0: i32, %arg1: i32, %arg2: memref<10000x128xf32, #tpu.memory_space<hbm>>, %arg3: memref<32x79x2x128xi32, #tpu.memory_space<hbm>>, %arg4: memref<640x128xf32, #tpu.memory_space<hbm>>, %arg5: memref<640xf32, #tpu.memory_space<hbm>>, %arg6: memref<128xf32, #tpu.memory_space<hbm>>, %arg7: memref<2x10240x128xf32, #tpu.memory_space<hbm>>, %arg8: memref<2x10240xf32, #tpu.memory_space<hbm>>, %arg9: memref<4x2x128xi32, #tpu.memory_space<vmem>>, %arg10: memref<2x128x128xf32, #tpu.memory_space<vmem>>, %arg11: memref<128xf32, #tpu.memory_space<vmem>>, %arg12: memref<10240x128xf32, #tpu.memory_space<vmem_shared>>, %arg13: memref<10240xf32, #tpu.memory_space<vmem_shared>>, %arg14: memref<!tpu.dma_semaphore, #tpu.memory_space<semaphore_mem>>, %arg15: memref<!tpu.dma_semaphore, #tpu.memory_space<semaphore_mem>>) attributes {dimension_semantics = [#tpu.dimension_semantics<core_parallel>, #tpu.dimension_semantics<subcore_parallel>], iteration_bounds = array<i64: 2, 16>, scalar_prefetch = 0 : i64, scratch_operands = 7 : i64, tpu.core_type = #tpu.core_type<sc_vector_subcore>, window_params = [{transform_indices = #map}, {transform_indices = #map1}, {transform_indices = #map}, {transform_indices = #map2}, {transform_indices = #map2}, {transform_indices = #map3}, {transform_indices = #map}]} {
    %mul3A = arith.constant 16 : i32
    %mul3A_0 = arith.muli %arg0, %mul3A : i32
    %add3A = arith.addi %mul3A_0, %arg1 : i32
    %mul3A_1 = arith.constant 640 : i32
    %mul3A_2 = arith.muli %arg1, %mul3A_1 : i32
    "tpu.region"() ({
      %run_scoped3A = tpu.sem_alloc : memref<!tpu.dma_semaphore, #tpu.memory_space<semaphore_mem>>
      %dma_start3A_84 = arith.constant 0 : i32
      %dma_start3A_85 = tpu.memref_slice %arg12[%mul3A_2, %dma_start3A_84] : memref<10240x128xf32, #tpu.memory_space<vmem_shared>> -> memref<640x128xf32, #tpu.memory_space<vmem_shared>>
      tpu.enqueue_dma source(%arg4 : memref<640x128xf32, #tpu.memory_space<hbm>>) target(%dma_start3A_85 : memref<640x128xf32, #tpu.memory_space<vmem_shared>>) target_semaphore(%run_scoped3A : memref<!tpu.dma_semaphore, #tpu.memory_space<semaphore_mem>>)
      %dma_wait3A_86 = arith.constant 0 : i32
      %dma_wait3A_87 = tpu.memref_slice %arg12[%mul3A_2, %dma_wait3A_86] : memref<10240x128xf32, #tpu.memory_space<vmem_shared>> -> memref<640x128xf32, #tpu.memory_space<vmem_shared>>
      tpu.wait_dma2 semaphore(%run_scoped3A : memref<!tpu.dma_semaphore, #tpu.memory_space<semaphore_mem>>) src(%arg4 : memref<640x128xf32, #tpu.memory_space<hbm>>) dst(%dma_wait3A_87 : memref<640x128xf32, #tpu.memory_space<vmem_shared>>)
      tpu.yield
    }) : () -> ()
    %mul3A_3 = arith.constant 640 : i32
    %mul3A_4 = arith.muli %arg1, %mul3A_3 : i32
    "tpu.region"() ({
      %run_scoped3A = tpu.sem_alloc : memref<!tpu.dma_semaphore, #tpu.memory_space<semaphore_mem>>
      %dma_start3A_84 = tpu.memref_slice %arg13[%mul3A_4] : memref<10240xf32, #tpu.memory_space<vmem_shared>> -> memref<640xf32, #tpu.memory_space<vmem_shared>>
      tpu.enqueue_dma source(%arg5 : memref<640xf32, #tpu.memory_space<hbm>>) target(%dma_start3A_84 : memref<640xf32, #tpu.memory_space<vmem_shared>>) target_semaphore(%run_scoped3A : memref<!tpu.dma_semaphore, #tpu.memory_space<semaphore_mem>>)
      %dma_wait3A_85 = tpu.memref_slice %arg13[%mul3A_4] : memref<10240xf32, #tpu.memory_space<vmem_shared>> -> memref<640xf32, #tpu.memory_space<vmem_shared>>
      tpu.wait_dma2 semaphore(%run_scoped3A : memref<!tpu.dma_semaphore, #tpu.memory_space<semaphore_mem>>) src(%arg5 : memref<640xf32, #tpu.memory_space<hbm>>) dst(%dma_wait3A_85 : memref<640xf32, #tpu.memory_space<vmem_shared>>)
      tpu.yield
    }) : () -> ()
    "tpu.region"() ({
      %run_scoped3A = tpu.sem_alloc : memref<!tpu.dma_semaphore, #tpu.memory_space<semaphore_mem>>
      tpu.enqueue_dma source(%arg6 : memref<128xf32, #tpu.memory_space<hbm>>) target(%arg11 : memref<128xf32, #tpu.memory_space<vmem>>) target_semaphore(%run_scoped3A : memref<!tpu.dma_semaphore, #tpu.memory_space<semaphore_mem>>)
      tpu.wait_dma2 semaphore(%run_scoped3A : memref<!tpu.dma_semaphore, #tpu.memory_space<semaphore_mem>>) src(%arg6 : memref<128xf32, #tpu.memory_space<hbm>>) dst(%arg11 : memref<128xf32, #tpu.memory_space<vmem>>)
      tpu.yield
    }) : () -> ()
    %dma_start3A = arith.constant 0 : i32
    %dma_start3A_5 = arith.constant 0 : i32
    %dma_start3A_6 = arith.constant 0 : i32
    %dma_start3A_7 = arith.constant 0 : i32
    %dma_start3A_8 = tpu.memref_slice %arg9[%dma_start3A_5, %dma_start3A_6, %dma_start3A_7] : memref<4x2x128xi32, #tpu.memory_space<vmem>> -> memref<1x2x128xi32, #tpu.memory_space<vmem>>
    %dma_start3A_9 = tpu.memref_squeeze %dma_start3A_8 : memref<1x2x128xi32, #tpu.memory_space<vmem>> -> memref<2x128xi32, #tpu.memory_space<vmem>>
    %dma_start3A_10 = arith.constant 0 : i32
    %dma_start3A_11 = arith.constant 0 : i32
    %dma_start3A_12 = tpu.memref_slice %arg3[%add3A, %dma_start3A, %dma_start3A_10, %dma_start3A_11] : memref<32x79x2x128xi32, #tpu.memory_space<hbm>> -> memref<1x1x2x128xi32, #tpu.memory_space<hbm>>
    %dma_start3A_13 = tpu.memref_squeeze %dma_start3A_12 : memref<1x1x2x128xi32, #tpu.memory_space<hbm>> -> memref<2x128xi32, #tpu.memory_space<hbm>>
    %dma_start3A_14 = arith.constant 0 : i32
    %dma_start3A_15 = arith.constant 0 : i32
    %dma_start3A_16 = tpu.memref_slice %arg9[%dma_start3A_5, %dma_start3A_14, %dma_start3A_15] : memref<4x2x128xi32, #tpu.memory_space<vmem>> -> memref<1x2x128xi32, #tpu.memory_space<vmem>>
    %dma_start3A_17 = tpu.memref_squeeze %dma_start3A_16 : memref<1x2x128xi32, #tpu.memory_space<vmem>> -> memref<2x128xi32, #tpu.memory_space<vmem>>
    %dma_start3A_18 = arith.constant 0 : i32
    %dma_start3A_19 = arith.constant 0 : i32
    %dma_start3A_20 = tpu.memref_slice %arg3[%add3A, %dma_start3A, %dma_start3A_18, %dma_start3A_19] : memref<32x79x2x128xi32, #tpu.memory_space<hbm>> -> memref<1x1x2x128xi32, #tpu.memory_space<hbm>>
    %dma_start3A_21 = tpu.memref_squeeze %dma_start3A_20 : memref<1x1x2x128xi32, #tpu.memory_space<hbm>> -> memref<2x128xi32, #tpu.memory_space<hbm>>
    tpu.enqueue_dma source(%dma_start3A_21 : memref<2x128xi32, #tpu.memory_space<hbm>>) target(%dma_start3A_17 : memref<2x128xi32, #tpu.memory_space<vmem>>) target_semaphore(%arg15 : memref<!tpu.dma_semaphore, #tpu.memory_space<semaphore_mem>>)
    %dma_start3A_22 = arith.constant 1 : i32
    %dma_start3A_23 = arith.constant 1 : i32
    %dma_start3A_24 = arith.constant 0 : i32
    %dma_start3A_25 = arith.constant 0 : i32
    %dma_start3A_26 = tpu.memref_slice %arg9[%dma_start3A_23, %dma_start3A_24, %dma_start3A_25] : memref<4x2x128xi32, #tpu.memory_space<vmem>> -> memref<1x2x128xi32, #tpu.memory_space<vmem>>
    %dma_start3A_27 = tpu.memref_squeeze %dma_start3A_26 : memref<1x2x128xi32, #tpu.memory_space<vmem>> -> memref<2x128xi32, #tpu.memory_space<vmem>>
    %dma_start3A_28 = arith.constant 0 : i32
    %dma_start3A_29 = arith.constant 0 : i32
    %dma_start3A_30 = tpu.memref_slice %arg3[%add3A, %dma_start3A_22, %dma_start3A_28, %dma_start3A_29] : memref<32x79x2x128xi32, #tpu.memory_space<hbm>> -> memref<1x1x2x128xi32, #tpu.memory_space<hbm>>
    %dma_start3A_31 = tpu.memref_squeeze %dma_start3A_30 : memref<1x1x2x128xi32, #tpu.memory_space<hbm>> -> memref<2x128xi32, #tpu.memory_space<hbm>>
    %dma_start3A_32 = arith.constant 0 : i32
    %dma_start3A_33 = arith.constant 0 : i32
    %dma_start3A_34 = tpu.memref_slice %arg9[%dma_start3A_23, %dma_start3A_32, %dma_start3A_33] : memref<4x2x128xi32, #tpu.memory_space<vmem>> -> memref<1x2x128xi32, #tpu.memory_space<vmem>>
    %dma_start3A_35 = tpu.memref_squeeze %dma_start3A_34 : memref<1x2x128xi32, #tpu.memory_space<vmem>> -> memref<2x128xi32, #tpu.memory_space<vmem>>
    %dma_start3A_36 = arith.constant 0 : i32
    %dma_start3A_37 = arith.constant 0 : i32
    %dma_start3A_38 = tpu.memref_slice %arg3[%add3A, %dma_start3A_22, %dma_start3A_36, %dma_start3A_37] : memref<32x79x2x128xi32, #tpu.memory_space<hbm>> -> memref<1x1x2x128xi32, #tpu.memory_space<hbm>>
    %dma_start3A_39 = tpu.memref_squeeze %dma_start3A_38 : memref<1x1x2x128xi32, #tpu.memory_space<hbm>> -> memref<2x128xi32, #tpu.memory_space<hbm>>
    tpu.enqueue_dma source(%dma_start3A_39 : memref<2x128xi32, #tpu.memory_space<hbm>>) target(%dma_start3A_35 : memref<2x128xi32, #tpu.memory_space<vmem>>) target_semaphore(%arg15 : memref<!tpu.dma_semaphore, #tpu.memory_space<semaphore_mem>>)
    %barrier3A = arith.constant 0 : index
    tpu.barrier barrier_id(%barrier3A)
    %dma_wait3A = arith.constant 0 : i32
    %dma_wait3A_40 = arith.constant 0 : i32
    %dma_wait3A_41 = arith.constant 0 : i32
    %dma_wait3A_42 = arith.constant 0 : i32
    %dma_wait3A_43 = tpu.memref_slice %arg9[%dma_wait3A_40, %dma_wait3A_41, %dma_wait3A_42] : memref<4x2x128xi32, #tpu.memory_space<vmem>> -> memref<1x2x128xi32, #tpu.memory_space<vmem>>
    %dma_wait3A_44 = tpu.memref_squeeze %dma_wait3A_43 : memref<1x2x128xi32, #tpu.memory_space<vmem>> -> memref<2x128xi32, #tpu.memory_space<vmem>>
    %dma_wait3A_45 = arith.constant 0 : i32
    %dma_wait3A_46 = arith.constant 0 : i32
    %dma_wait3A_47 = tpu.memref_slice %arg3[%add3A, %dma_wait3A, %dma_wait3A_45, %dma_wait3A_46] : memref<32x79x2x128xi32, #tpu.memory_space<hbm>> -> memref<1x1x2x128xi32, #tpu.memory_space<hbm>>
    %dma_wait3A_48 = tpu.memref_squeeze %dma_wait3A_47 : memref<1x1x2x128xi32, #tpu.memory_space<hbm>> -> memref<2x128xi32, #tpu.memory_space<hbm>>
    %dma_wait3A_49 = arith.constant 0 : i32
    %dma_wait3A_50 = arith.constant 0 : i32
    %dma_wait3A_51 = tpu.memref_slice %arg9[%dma_wait3A_40, %dma_wait3A_49, %dma_wait3A_50] : memref<4x2x128xi32, #tpu.memory_space<vmem>> -> memref<1x2x128xi32, #tpu.memory_space<vmem>>
    %dma_wait3A_52 = tpu.memref_squeeze %dma_wait3A_51 : memref<1x2x128xi32, #tpu.memory_space<vmem>> -> memref<2x128xi32, #tpu.memory_space<vmem>>
    %dma_wait3A_53 = arith.constant 0 : i32
    %dma_wait3A_54 = arith.constant 0 : i32
    %dma_wait3A_55 = tpu.memref_slice %arg3[%add3A, %dma_wait3A, %dma_wait3A_53, %dma_wait3A_54] : memref<32x79x2x128xi32, #tpu.memory_space<hbm>> -> memref<1x1x2x128xi32, #tpu.memory_space<hbm>>
    %dma_wait3A_56 = tpu.memref_squeeze %dma_wait3A_55 : memref<1x1x2x128xi32, #tpu.memory_space<hbm>> -> memref<2x128xi32, #tpu.memory_space<hbm>>
    tpu.wait_dma2 semaphore(%arg15 : memref<!tpu.dma_semaphore, #tpu.memory_space<semaphore_mem>>) src(%dma_wait3A_56 : memref<2x128xi32, #tpu.memory_space<hbm>>) dst(%dma_wait3A_52 : memref<2x128xi32, #tpu.memory_space<vmem>>)
    %dma_start3A_57 = arith.constant 0 : i32
    %dma_start3A_58 = arith.constant 0 : i32
    %dma_start3A_59 = arith.constant 0 : i32
    %dma_start3A_60 = arith.constant 0 : i32
    %dma_start3A_61 = arith.constant 0 : i32
    %dma_start3A_62 = tpu.memref_slice %arg10[%dma_start3A_59, %dma_start3A_60, %dma_start3A_61] : memref<2x128x128xf32, #tpu.memory_space<vmem>> -> memref<1x128x128xf32, #tpu.memory_space<vmem>>
    %dma_start3A_63 = tpu.memref_squeeze %dma_start3A_62 : memref<1x128x128xf32, #tpu.memory_space<vmem>> -> memref<128x128xf32, #tpu.memory_space<vmem>>
    %dma_start3A_64 = arith.constant 0 : i32
    %dma_start3A_65 = tpu.memref_slice %arg9[%dma_start3A_57, %dma_start3A_58, %dma_start3A_64] : memref<4x2x128xi32, #tpu.memory_space<vmem>> -> memref<1x1x128xi32, #tpu.memory_space<vmem>>
    %dma_start3A_66 = tpu.memref_squeeze %dma_start3A_65 : memref<1x1x128xi32, #tpu.memory_space<vmem>> -> memref<128xi32, #tpu.memory_space<vmem>>
    %dma_start3A_67 = arith.constant 0 : i32
    %dma_start3A_68 = arith.constant 0 : i32
    %dma_start3A_69 = tpu.memref_slice %arg2[%dma_start3A_67, %dma_start3A_68] : memref<10000x128xf32, #tpu.memory_space<hbm>> -> memref<10000x128xf32, #tpu.memory_space<hbm>>
    tpu.enqueue_indirect_dma source(%dma_start3A_69 : memref<10000x128xf32, #tpu.memory_space<hbm>>) target(%dma_start3A_63 : memref<128x128xf32, #tpu.memory_space<vmem>>) offsets(%dma_start3A_66 : memref<128xi32, #tpu.memory_space<vmem>>) semaphore(%arg14 : memref<!tpu.dma_semaphore, #tpu.memory_space<semaphore_mem>>)
    %scan3A = arith.constant 0 : i32
    %scan3A_70 = arith.constant 0 : i32
    %scan3A_71 = arith.constant 79 : i32
    %scan3A_72 = arith.addi %scan3A_70, %scan3A_71 : i32
    %scan3A_73 = arith.constant 1 : i32
    scf.for %scan3A_84 = %scan3A_70 to %scan3A_72 step %scan3A_73  : i32 {
      %rem3A = arith.constant 2 : i32
      %rem3A_85 = arith.remsi %scan3A_84, %rem3A : i32
      %rem3A_86 = arith.constant 4 : i32
      %rem3A_87 = arith.remsi %scan3A_84, %rem3A_86 : i32
      %add3A_88 = arith.constant 1 : i32
      %add3A_89 = arith.addi %scan3A_84, %add3A_88 : i32
      %lt3A = arith.constant 79 : i32
      %lt3A_90 = arith.cmpi slt, %add3A_89, %lt3A : i32
      %convert_element_type3A = arith.extui %lt3A_90 : i1 to i32
      %cond3A = arith.constant 0 : i32
      %cond3A_91 = arith.cmpi ne, %convert_element_type3A, %cond3A : i32
      scf.if %cond3A_91 {
        %add3A_104 = arith.constant 1 : i32
        %add3A_105 = arith.addi %scan3A_84, %add3A_104 : i32
        %rem3A_106 = arith.constant 4 : i32
        %rem3A_107 = arith.remsi %add3A_105, %rem3A_106 : i32
        %add3A_108 = arith.constant 1 : i32
        %add3A_109 = arith.addi %scan3A_84, %add3A_108 : i32
        %dma_wait3A_110 = arith.constant 0 : i32
        %dma_wait3A_111 = arith.constant 0 : i32
        %dma_wait3A_112 = tpu.memref_slice %arg9[%rem3A_107, %dma_wait3A_110, %dma_wait3A_111] : memref<4x2x128xi32, #tpu.memory_space<vmem>> -> memref<1x2x128xi32, #tpu.memory_space<vmem>>
        %dma_wait3A_113 = tpu.memref_squeeze %dma_wait3A_112 : memref<1x2x128xi32, #tpu.memory_space<vmem>> -> memref<2x128xi32, #tpu.memory_space<vmem>>
        %dma_wait3A_114 = arith.constant 0 : i32
        %dma_wait3A_115 = arith.constant 0 : i32
        %dma_wait3A_116 = tpu.memref_slice %arg3[%add3A, %add3A_109, %dma_wait3A_114, %dma_wait3A_115] : memref<32x79x2x128xi32, #tpu.memory_space<hbm>> -> memref<1x1x2x128xi32, #tpu.memory_space<hbm>>
        %dma_wait3A_117 = tpu.memref_squeeze %dma_wait3A_116 : memref<1x1x2x128xi32, #tpu.memory_space<hbm>> -> memref<2x128xi32, #tpu.memory_space<hbm>>
        %dma_wait3A_118 = arith.constant 0 : i32
        %dma_wait3A_119 = arith.constant 0 : i32
        %dma_wait3A_120 = tpu.memref_slice %arg9[%rem3A_107, %dma_wait3A_118, %dma_wait3A_119] : memref<4x2x128xi32, #tpu.memory_space<vmem>> -> memref<1x2x128xi32, #tpu.memory_space<vmem>>
        %dma_wait3A_121 = tpu.memref_squeeze %dma_wait3A_120 : memref<1x2x128xi32, #tpu.memory_space<vmem>> -> memref<2x128xi32, #tpu.memory_space<vmem>>
        %dma_wait3A_122 = arith.constant 0 : i32
        %dma_wait3A_123 = arith.constant 0 : i32
        %dma_wait3A_124 = tpu.memref_slice %arg3[%add3A, %add3A_109, %dma_wait3A_122, %dma_wait3A_123] : memref<32x79x2x128xi32, #tpu.memory_space<hbm>> -> memref<1x1x2x128xi32, #tpu.memory_space<hbm>>
        %dma_wait3A_125 = tpu.memref_squeeze %dma_wait3A_124 : memref<1x1x2x128xi32, #tpu.memory_space<hbm>> -> memref<2x128xi32, #tpu.memory_space<hbm>>
        tpu.wait_dma2 semaphore(%arg15 : memref<!tpu.dma_semaphore, #tpu.memory_space<semaphore_mem>>) src(%dma_wait3A_125 : memref<2x128xi32, #tpu.memory_space<hbm>>) dst(%dma_wait3A_121 : memref<2x128xi32, #tpu.memory_space<vmem>>)
        %sub3A = arith.constant 1 : i32
        %sub3A_126 = arith.subi %sub3A, %rem3A_85 : i32
        %dma_start3A_127 = arith.constant 0 : i32
        %dma_start3A_128 = arith.constant 0 : i32
        %dma_start3A_129 = arith.constant 0 : i32
        %dma_start3A_130 = tpu.memref_slice %arg10[%sub3A_126, %dma_start3A_128, %dma_start3A_129] : memref<2x128x128xf32, #tpu.memory_space<vmem>> -> memref<1x128x128xf32, #tpu.memory_space<vmem>>
        %dma_start3A_131 = tpu.memref_squeeze %dma_start3A_130 : memref<1x128x128xf32, #tpu.memory_space<vmem>> -> memref<128x128xf32, #tpu.memory_space<vmem>>
        %dma_start3A_132 = arith.constant 0 : i32
        %dma_start3A_133 = tpu.memref_slice %arg9[%rem3A_107, %dma_start3A_127, %dma_start3A_132] : memref<4x2x128xi32, #tpu.memory_space<vmem>> -> memref<1x1x128xi32, #tpu.memory_space<vmem>>
        %dma_start3A_134 = tpu.memref_squeeze %dma_start3A_133 : memref<1x1x128xi32, #tpu.memory_space<vmem>> -> memref<128xi32, #tpu.memory_space<vmem>>
        %dma_start3A_135 = arith.constant 0 : i32
        %dma_start3A_136 = arith.constant 0 : i32
        %dma_start3A_137 = tpu.memref_slice %arg2[%dma_start3A_135, %dma_start3A_136] : memref<10000x128xf32, #tpu.memory_space<hbm>> -> memref<10000x128xf32, #tpu.memory_space<hbm>>
        tpu.enqueue_indirect_dma source(%dma_start3A_137 : memref<10000x128xf32, #tpu.memory_space<hbm>>) target(%dma_start3A_131 : memref<128x128xf32, #tpu.memory_space<vmem>>) offsets(%dma_start3A_134 : memref<128xi32, #tpu.memory_space<vmem>>) semaphore(%arg14 : memref<!tpu.dma_semaphore, #tpu.memory_space<semaphore_mem>>)
        %add3A_138 = arith.constant 2 : i32
        %add3A_139 = arith.addi %scan3A_84, %add3A_138 : i32
        %lt3A_140 = arith.constant 79 : i32
        %lt3A_141 = arith.cmpi slt, %add3A_139, %lt3A_140 : i32
        %convert_element_type3A_142 = arith.extui %lt3A_141 : i1 to i32
        %cond3A_143 = arith.constant 0 : i32
        %cond3A_144 = arith.cmpi ne, %convert_element_type3A_142, %cond3A_143 : i32
        scf.if %cond3A_144 {
          %add3A_145 = arith.constant 2 : i32
          %add3A_146 = arith.addi %scan3A_84, %add3A_145 : i32
          %add3A_147 = arith.constant 2 : i32
          %add3A_148 = arith.addi %scan3A_84, %add3A_147 : i32
          %rem3A_149 = arith.constant 4 : i32
          %rem3A_150 = arith.remsi %add3A_148, %rem3A_149 : i32
          %dma_start3A_151 = arith.constant 0 : i32
          %dma_start3A_152 = arith.constant 0 : i32
          %dma_start3A_153 = tpu.memref_slice %arg9[%rem3A_150, %dma_start3A_151, %dma_start3A_152] : memref<4x2x128xi32, #tpu.memory_space<vmem>> -> memref<1x2x128xi32, #tpu.memory_space<vmem>>
          %dma_start3A_154 = tpu.memref_squeeze %dma_start3A_153 : memref<1x2x128xi32, #tpu.memory_space<vmem>> -> memref<2x128xi32, #tpu.memory_space<vmem>>
          %dma_start3A_155 = arith.constant 0 : i32
          %dma_start3A_156 = arith.constant 0 : i32
          %dma_start3A_157 = tpu.memref_slice %arg3[%add3A, %add3A_146, %dma_start3A_155, %dma_start3A_156] : memref<32x79x2x128xi32, #tpu.memory_space<hbm>> -> memref<1x1x2x128xi32, #tpu.memory_space<hbm>>
          %dma_start3A_158 = tpu.memref_squeeze %dma_start3A_157 : memref<1x1x2x128xi32, #tpu.memory_space<hbm>> -> memref<2x128xi32, #tpu.memory_space<hbm>>
          %dma_start3A_159 = arith.constant 0 : i32
          %dma_start3A_160 = arith.constant 0 : i32
          %dma_start3A_161 = tpu.memref_slice %arg9[%rem3A_150, %dma_start3A_159, %dma_start3A_160] : memref<4x2x128xi32, #tpu.memory_space<vmem>> -> memref<1x2x128xi32, #tpu.memory_space<vmem>>
          %dma_start3A_162 = tpu.memref_squeeze %dma_start3A_161 : memref<1x2x128xi32, #tpu.memory_space<vmem>> -> memref<2x128xi32, #tpu.memory_space<vmem>>
          %dma_start3A_163 = arith.constant 0 : i32
          %dma_start3A_164 = arith.constant 0 : i32
          %dma_start3A_165 = tpu.memref_slice %arg3[%add3A, %add3A_146, %dma_start3A_163, %dma_start3A_164] : memref<32x79x2x128xi32, #tpu.memory_space<hbm>> -> memref<1x1x2x128xi32, #tpu.memory_space<hbm>>
          %dma_start3A_166 = tpu.memref_squeeze %dma_start3A_165 : memref<1x1x2x128xi32, #tpu.memory_space<hbm>> -> memref<2x128xi32, #tpu.memory_space<hbm>>
          tpu.enqueue_dma source(%dma_start3A_166 : memref<2x128xi32, #tpu.memory_space<hbm>>) target(%dma_start3A_162 : memref<2x128xi32, #tpu.memory_space<vmem>>) target_semaphore(%arg15 : memref<!tpu.dma_semaphore, #tpu.memory_space<semaphore_mem>>)
        } else {
        }
      } else {
      }
      %dma_wait3A_92 = arith.constant 0 : i32
      %dma_wait3A_93 = arith.constant 0 : i32
      %dma_wait3A_94 = arith.constant 0 : i32
      %dma_wait3A_95 = tpu.memref_slice %arg10[%rem3A_85, %dma_wait3A_93, %dma_wait3A_94] : memref<2x128x128xf32, #tpu.memory_space<vmem>> -> memref<1x128x128xf32, #tpu.memory_space<vmem>>
      %dma_wait3A_96 = tpu.memref_squeeze %dma_wait3A_95 : memref<1x128x128xf32, #tpu.memory_space<vmem>> -> memref<128x128xf32, #tpu.memory_space<vmem>>
      %dma_wait3A_97 = arith.constant 0 : i32
      %dma_wait3A_98 = tpu.memref_slice %arg9[%rem3A_87, %dma_wait3A_92, %dma_wait3A_97] : memref<4x2x128xi32, #tpu.memory_space<vmem>> -> memref<1x1x128xi32, #tpu.memory_space<vmem>>
      %dma_wait3A_99 = tpu.memref_squeeze %dma_wait3A_98 : memref<1x1x128xi32, #tpu.memory_space<vmem>> -> memref<128xi32, #tpu.memory_space<vmem>>
      %dma_wait3A_100 = arith.constant 0 : i32
      %dma_wait3A_101 = arith.constant 0 : i32
      %dma_wait3A_102 = tpu.memref_slice %arg2[%dma_wait3A_100, %dma_wait3A_101] : memref<10000x128xf32, #tpu.memory_space<hbm>> -> memref<10000x128xf32, #tpu.memory_space<hbm>>
      tpu.wait_indirect_dma semaphore(%arg14 : memref<!tpu.dma_semaphore, #tpu.memory_space<semaphore_mem>>) src(%dma_wait3A_102 : memref<10000x128xf32, #tpu.memory_space<hbm>>) dst(%dma_wait3A_96 : memref<128x128xf32, #tpu.memory_space<vmem>>)
      %run_scoped3A = arith.constant 1 : i32
      "tpu.region"() ({
        %run_scoped3A_104 = tpu.sem_alloc : memref<!tpu.dma_semaphore, #tpu.memory_space<semaphore_mem>>
        %dma_start3A_105 = arith.constant 0 : i32
        %dma_start3A_106 = arith.constant 0 : i32
        %dma_start3A_107 = tpu.memref_slice %arg10[%rem3A_85, %dma_start3A_105, %dma_start3A_106] : memref<2x128x128xf32, #tpu.memory_space<vmem>> -> memref<1x128x128xf32, #tpu.memory_space<vmem>>
        %dma_start3A_108 = tpu.memref_squeeze %dma_start3A_107 : memref<1x128x128xf32, #tpu.memory_space<vmem>> -> memref<128x128xf32, #tpu.memory_space<vmem>>
        %dma_start3A_109 = arith.constant 0 : i32
        %dma_start3A_110 = tpu.memref_slice %arg9[%rem3A_87, %run_scoped3A, %dma_start3A_109] : memref<4x2x128xi32, #tpu.memory_space<vmem>> -> memref<1x1x128xi32, #tpu.memory_space<vmem>>
        %dma_start3A_111 = tpu.memref_squeeze %dma_start3A_110 : memref<1x1x128xi32, #tpu.memory_space<vmem>> -> memref<128xi32, #tpu.memory_space<vmem>>
        %dma_start3A_112 = arith.constant 0 : i32
        %dma_start3A_113 = arith.constant 0 : i32
        %dma_start3A_114 = tpu.memref_slice %arg12[%dma_start3A_112, %dma_start3A_113] : memref<10240x128xf32, #tpu.memory_space<vmem_shared>> -> memref<10240x128xf32, #tpu.memory_space<vmem_shared>>
        tpu.enqueue_indirect_dma source(%dma_start3A_108 : memref<128x128xf32, #tpu.memory_space<vmem>>) target(%dma_start3A_114 : memref<10240x128xf32, #tpu.memory_space<vmem_shared>>) offsets(%dma_start3A_111 : memref<128xi32, #tpu.memory_space<vmem>>) semaphore(%run_scoped3A_104 : memref<!tpu.dma_semaphore, #tpu.memory_space<semaphore_mem>>) {add = true}
        %dma_wait3A_115 = arith.constant 0 : i32
        %dma_wait3A_116 = arith.constant 0 : i32
        %dma_wait3A_117 = tpu.memref_slice %arg10[%rem3A_85, %dma_wait3A_115, %dma_wait3A_116] : memref<2x128x128xf32, #tpu.memory_space<vmem>> -> memref<1x128x128xf32, #tpu.memory_space<vmem>>
        %dma_wait3A_118 = tpu.memref_squeeze %dma_wait3A_117 : memref<1x128x128xf32, #tpu.memory_space<vmem>> -> memref<128x128xf32, #tpu.memory_space<vmem>>
        %dma_wait3A_119 = arith.constant 0 : i32
        %dma_wait3A_120 = tpu.memref_slice %arg9[%rem3A_87, %run_scoped3A, %dma_wait3A_119] : memref<4x2x128xi32, #tpu.memory_space<vmem>> -> memref<1x1x128xi32, #tpu.memory_space<vmem>>
        %dma_wait3A_121 = tpu.memref_squeeze %dma_wait3A_120 : memref<1x1x128xi32, #tpu.memory_space<vmem>> -> memref<128xi32, #tpu.memory_space<vmem>>
        %dma_wait3A_122 = arith.constant 0 : i32
        %dma_wait3A_123 = arith.constant 0 : i32
        %dma_wait3A_124 = tpu.memref_slice %arg12[%dma_wait3A_122, %dma_wait3A_123] : memref<10240x128xf32, #tpu.memory_space<vmem_shared>> -> memref<10240x128xf32, #tpu.memory_space<vmem_shared>>
        tpu.wait_indirect_dma semaphore(%run_scoped3A_104 : memref<!tpu.dma_semaphore, #tpu.memory_space<semaphore_mem>>) src(%dma_wait3A_118 : memref<128x128xf32, #tpu.memory_space<vmem>>) dst(%dma_wait3A_124 : memref<10240x128xf32, #tpu.memory_space<vmem_shared>>)
        tpu.yield
      }) : () -> ()
      %run_scoped3A_103 = arith.constant 1 : i32
      "tpu.region"() ({
        %run_scoped3A_104 = tpu.sem_alloc : memref<!tpu.dma_semaphore, #tpu.memory_space<semaphore_mem>>
        %dma_start3A_105 = arith.constant 0 : i32
        %dma_start3A_106 = tpu.memref_slice %arg9[%rem3A_87, %run_scoped3A_103, %dma_start3A_105] : memref<4x2x128xi32, #tpu.memory_space<vmem>> -> memref<1x1x128xi32, #tpu.memory_space<vmem>>
        %dma_start3A_107 = tpu.memref_squeeze %dma_start3A_106 : memref<1x1x128xi32, #tpu.memory_space<vmem>> -> memref<128xi32, #tpu.memory_space<vmem>>
        %dma_start3A_108 = arith.constant 0 : i32
        %dma_start3A_109 = tpu.memref_slice %arg13[%dma_start3A_108] : memref<10240xf32, #tpu.memory_space<vmem_shared>> -> memref<10240xf32, #tpu.memory_space<vmem_shared>>
        tpu.enqueue_indirect_dma source(%arg11 : memref<128xf32, #tpu.memory_space<vmem>>) target(%dma_start3A_109 : memref<10240xf32, #tpu.memory_space<vmem_shared>>) offsets(%dma_start3A_107 : memref<128xi32, #tpu.memory_space<vmem>>) semaphore(%run_scoped3A_104 : memref<!tpu.dma_semaphore, #tpu.memory_space<semaphore_mem>>) {add = true}
        %dma_wait3A_110 = arith.constant 0 : i32
        %dma_wait3A_111 = tpu.memref_slice %arg9[%rem3A_87, %run_scoped3A_103, %dma_wait3A_110] : memref<4x2x128xi32, #tpu.memory_space<vmem>> -> memref<1x1x128xi32, #tpu.memory_space<vmem>>
        %dma_wait3A_112 = tpu.memref_squeeze %dma_wait3A_111 : memref<1x1x128xi32, #tpu.memory_space<vmem>> -> memref<128xi32, #tpu.memory_space<vmem>>
        %dma_wait3A_113 = arith.constant 0 : i32
        %dma_wait3A_114 = tpu.memref_slice %arg13[%dma_wait3A_113] : memref<10240xf32, #tpu.memory_space<vmem_shared>> -> memref<10240xf32, #tpu.memory_space<vmem_shared>>
        tpu.wait_indirect_dma semaphore(%run_scoped3A_104 : memref<!tpu.dma_semaphore, #tpu.memory_space<semaphore_mem>>) src(%arg11 : memref<128xf32, #tpu.memory_space<vmem>>) dst(%dma_wait3A_114 : memref<10240xf32, #tpu.memory_space<vmem_shared>>)
        tpu.yield
      }) : () -> ()
    }
    %scan3A_74 = arith.constant 79 : i32
    %barrier3A_75 = arith.constant 0 : index
    tpu.barrier barrier_id(%barrier3A_75)
    %mul3A_76 = arith.constant 640 : i32
    %mul3A_77 = arith.muli %arg1, %mul3A_76 : i32
    %mul3A_78 = arith.constant 640 : i32
    %mul3A_79 = arith.muli %arg1, %mul3A_78 : i32
    "tpu.region"() ({
      %run_scoped3A = tpu.sem_alloc : memref<!tpu.dma_semaphore, #tpu.memory_space<semaphore_mem>>
      %dma_start3A_84 = arith.constant 0 : i32
      %dma_start3A_85 = tpu.memref_slice %arg7[%arg0, %mul3A_79, %dma_start3A_84] : memref<2x10240x128xf32, #tpu.memory_space<hbm>> -> memref<1x640x128xf32, #tpu.memory_space<hbm>>
      %dma_start3A_86 = tpu.memref_squeeze %dma_start3A_85 : memref<1x640x128xf32, #tpu.memory_space<hbm>> -> memref<640x128xf32, #tpu.memory_space<hbm>>
      %dma_start3A_87 = arith.constant 0 : i32
      %dma_start3A_88 = tpu.memref_slice %arg12[%mul3A_77, %dma_start3A_87] : memref<10240x128xf32, #tpu.memory_space<vmem_shared>> -> memref<640x128xf32, #tpu.memory_space<vmem_shared>>
      tpu.enqueue_dma source(%dma_start3A_88 : memref<640x128xf32, #tpu.memory_space<vmem_shared>>) target(%dma_start3A_86 : memref<640x128xf32, #tpu.memory_space<hbm>>) target_semaphore(%run_scoped3A : memref<!tpu.dma_semaphore, #tpu.memory_space<semaphore_mem>>)
      %dma_wait3A_89 = arith.constant 0 : i32
      %dma_wait3A_90 = tpu.memref_slice %arg7[%arg0, %mul3A_79, %dma_wait3A_89] : memref<2x10240x128xf32, #tpu.memory_space<hbm>> -> memref<1x640x128xf32, #tpu.memory_space<hbm>>
      %dma_wait3A_91 = tpu.memref_squeeze %dma_wait3A_90 : memref<1x640x128xf32, #tpu.memory_space<hbm>> -> memref<640x128xf32, #tpu.memory_space<hbm>>
      %dma_wait3A_92 = arith.constant 0 : i32
      %dma_wait3A_93 = tpu.memref_slice %arg12[%mul3A_77, %dma_wait3A_92] : memref<10240x128xf32, #tpu.memory_space<vmem_shared>> -> memref<640x128xf32, #tpu.memory_space<vmem_shared>>
      tpu.wait_dma2 semaphore(%run_scoped3A : memref<!tpu.dma_semaphore, #tpu.memory_space<semaphore_mem>>) src(%dma_wait3A_93 : memref<640x128xf32, #tpu.memory_space<vmem_shared>>) dst(%dma_wait3A_91 : memref<640x128xf32, #tpu.memory_space<hbm>>)
      tpu.yield
    }) : () -> ()
    %mul3A_80 = arith.constant 640 : i32
    %mul3A_81 = arith.muli %arg1, %mul3A_80 : i32
    %mul3A_82 = arith.constant 640 : i32
    %mul3A_83 = arith.muli %arg1, %mul3A_82 : i32
    "tpu.region"() ({
      %run_scoped3A = tpu.sem_alloc : memref<!tpu.dma_semaphore, #tpu.memory_space<semaphore_mem>>
      %dma_start3A_84 = tpu.memref_slice %arg8[%arg0, %mul3A_83] : memref<2x10240xf32, #tpu.memory_space<hbm>> -> memref<1x640xf32, #tpu.memory_space<hbm>>
      %dma_start3A_85 = tpu.memref_squeeze %dma_start3A_84 : memref<1x640xf32, #tpu.memory_space<hbm>> -> memref<640xf32, #tpu.memory_space<hbm>>
      %dma_start3A_86 = tpu.memref_slice %arg13[%mul3A_81] : memref<10240xf32, #tpu.memory_space<vmem_shared>> -> memref<640xf32, #tpu.memory_space<vmem_shared>>
      tpu.enqueue_dma source(%dma_start3A_86 : memref<640xf32, #tpu.memory_space<vmem_shared>>) target(%dma_start3A_85 : memref<640xf32, #tpu.memory_space<hbm>>) target_semaphore(%run_scoped3A : memref<!tpu.dma_semaphore, #tpu.memory_space<semaphore_mem>>)
      %dma_wait3A_87 = tpu.memref_slice %arg8[%arg0, %mul3A_83] : memref<2x10240xf32, #tpu.memory_space<hbm>> -> memref<1x640xf32, #tpu.memory_space<hbm>>
      %dma_wait3A_88 = tpu.memref_squeeze %dma_wait3A_87 : memref<1x640xf32, #tpu.memory_space<hbm>> -> memref<640xf32, #tpu.memory_space<hbm>>
      %dma_wait3A_89 = tpu.memref_slice %arg13[%mul3A_81] : memref<10240xf32, #tpu.memory_space<vmem_shared>> -> memref<640xf32, #tpu.memory_space<vmem_shared>>
      tpu.wait_dma2 semaphore(%run_scoped3A : memref<!tpu.dma_semaphore, #tpu.memory_space<semaphore_mem>>) src(%dma_wait3A_89 : memref<640xf32, #tpu.memory_space<vmem_shared>>) dst(%dma_wait3A_88 : memref<640xf32, #tpu.memory_space<hbm>>)
      tpu.yield
    }) : () -> ()
    return
  }
}

#map = affine_map<(d0, d1) -> (0, 0)>
#map1 = affine_map<(d0, d1) -> (0, 0, 0, 0)>
#map2 = affine_map<(d0, d1) -> (0, 0, 0)>
module attributes {stable_mosaic.version = 14 : i64} {
  func.func @_sc_agg_body(%arg0: i32, %arg1: i32, %arg2: memref<10000x128xf32, #tpu.memory_space<hbm>>, %arg3: memref<32x79x2x128xi32, #tpu.memory_space<hbm>>, %arg4: memref<640x128xf32, #tpu.memory_space<hbm>>, %arg5: memref<2x10240x128xf32, #tpu.memory_space<hbm>>, %arg6: memref<4x2x128xi32, #tpu.memory_space<vmem>>, %arg7: memref<2x128x128xf32, #tpu.memory_space<vmem>>, %arg8: memref<10240x128xf32, #tpu.memory_space<vmem_shared>>, %arg9: memref<!tpu.dma_semaphore, #tpu.memory_space<semaphore_mem>>, %arg10: memref<!tpu.dma_semaphore, #tpu.memory_space<semaphore_mem>>) attributes {dimension_semantics = [#tpu.dimension_semantics<core_parallel>, #tpu.dimension_semantics<subcore_parallel>], iteration_bounds = array<i64: 2, 16>, scalar_prefetch = 0 : i64, scratch_operands = 5 : i64, tpu.core_type = #tpu.core_type<sc_vector_subcore>, window_params = [{transform_indices = #map}, {transform_indices = #map1}, {transform_indices = #map}, {transform_indices = #map2}]} {
    %mul3A = arith.constant 16 : i32
    %mul3A_0 = arith.muli %arg0, %mul3A : i32
    %add3A = arith.addi %mul3A_0, %arg1 : i32
    %mul3A_1 = arith.constant 640 : i32
    %mul3A_2 = arith.muli %arg1, %mul3A_1 : i32
    "tpu.region"() ({
      %run_scoped3A = tpu.sem_alloc : memref<!tpu.dma_semaphore, #tpu.memory_space<semaphore_mem>>
      %dma_start3A_78 = arith.constant 0 : i32
      %dma_start3A_79 = tpu.memref_slice %arg8[%mul3A_2, %dma_start3A_78] : memref<10240x128xf32, #tpu.memory_space<vmem_shared>> -> memref<640x128xf32, #tpu.memory_space<vmem_shared>>
      tpu.enqueue_dma source(%arg4 : memref<640x128xf32, #tpu.memory_space<hbm>>) target(%dma_start3A_79 : memref<640x128xf32, #tpu.memory_space<vmem_shared>>) target_semaphore(%run_scoped3A : memref<!tpu.dma_semaphore, #tpu.memory_space<semaphore_mem>>)
      %dma_wait3A_80 = arith.constant 0 : i32
      %dma_wait3A_81 = tpu.memref_slice %arg8[%mul3A_2, %dma_wait3A_80] : memref<10240x128xf32, #tpu.memory_space<vmem_shared>> -> memref<640x128xf32, #tpu.memory_space<vmem_shared>>
      tpu.wait_dma2 semaphore(%run_scoped3A : memref<!tpu.dma_semaphore, #tpu.memory_space<semaphore_mem>>) src(%arg4 : memref<640x128xf32, #tpu.memory_space<hbm>>) dst(%dma_wait3A_81 : memref<640x128xf32, #tpu.memory_space<vmem_shared>>)
      tpu.yield
    }) : () -> ()
    %dma_start3A = arith.constant 0 : i32
    %dma_start3A_3 = arith.constant 0 : i32
    %dma_start3A_4 = arith.constant 0 : i32
    %dma_start3A_5 = arith.constant 0 : i32
    %dma_start3A_6 = tpu.memref_slice %arg6[%dma_start3A_3, %dma_start3A_4, %dma_start3A_5] : memref<4x2x128xi32, #tpu.memory_space<vmem>> -> memref<1x2x128xi32, #tpu.memory_space<vmem>>
    %dma_start3A_7 = tpu.memref_squeeze %dma_start3A_6 : memref<1x2x128xi32, #tpu.memory_space<vmem>> -> memref<2x128xi32, #tpu.memory_space<vmem>>
    %dma_start3A_8 = arith.constant 0 : i32
    %dma_start3A_9 = arith.constant 0 : i32
    %dma_start3A_10 = tpu.memref_slice %arg3[%add3A, %dma_start3A, %dma_start3A_8, %dma_start3A_9] : memref<32x79x2x128xi32, #tpu.memory_space<hbm>> -> memref<1x1x2x128xi32, #tpu.memory_space<hbm>>
    %dma_start3A_11 = tpu.memref_squeeze %dma_start3A_10 : memref<1x1x2x128xi32, #tpu.memory_space<hbm>> -> memref<2x128xi32, #tpu.memory_space<hbm>>
    %dma_start3A_12 = arith.constant 0 : i32
    %dma_start3A_13 = arith.constant 0 : i32
    %dma_start3A_14 = tpu.memref_slice %arg6[%dma_start3A_3, %dma_start3A_12, %dma_start3A_13] : memref<4x2x128xi32, #tpu.memory_space<vmem>> -> memref<1x2x128xi32, #tpu.memory_space<vmem>>
    %dma_start3A_15 = tpu.memref_squeeze %dma_start3A_14 : memref<1x2x128xi32, #tpu.memory_space<vmem>> -> memref<2x128xi32, #tpu.memory_space<vmem>>
    %dma_start3A_16 = arith.constant 0 : i32
    %dma_start3A_17 = arith.constant 0 : i32
    %dma_start3A_18 = tpu.memref_slice %arg3[%add3A, %dma_start3A, %dma_start3A_16, %dma_start3A_17] : memref<32x79x2x128xi32, #tpu.memory_space<hbm>> -> memref<1x1x2x128xi32, #tpu.memory_space<hbm>>
    %dma_start3A_19 = tpu.memref_squeeze %dma_start3A_18 : memref<1x1x2x128xi32, #tpu.memory_space<hbm>> -> memref<2x128xi32, #tpu.memory_space<hbm>>
    tpu.enqueue_dma source(%dma_start3A_19 : memref<2x128xi32, #tpu.memory_space<hbm>>) target(%dma_start3A_15 : memref<2x128xi32, #tpu.memory_space<vmem>>) target_semaphore(%arg10 : memref<!tpu.dma_semaphore, #tpu.memory_space<semaphore_mem>>)
    %dma_start3A_20 = arith.constant 1 : i32
    %dma_start3A_21 = arith.constant 1 : i32
    %dma_start3A_22 = arith.constant 0 : i32
    %dma_start3A_23 = arith.constant 0 : i32
    %dma_start3A_24 = tpu.memref_slice %arg6[%dma_start3A_21, %dma_start3A_22, %dma_start3A_23] : memref<4x2x128xi32, #tpu.memory_space<vmem>> -> memref<1x2x128xi32, #tpu.memory_space<vmem>>
    %dma_start3A_25 = tpu.memref_squeeze %dma_start3A_24 : memref<1x2x128xi32, #tpu.memory_space<vmem>> -> memref<2x128xi32, #tpu.memory_space<vmem>>
    %dma_start3A_26 = arith.constant 0 : i32
    %dma_start3A_27 = arith.constant 0 : i32
    %dma_start3A_28 = tpu.memref_slice %arg3[%add3A, %dma_start3A_20, %dma_start3A_26, %dma_start3A_27] : memref<32x79x2x128xi32, #tpu.memory_space<hbm>> -> memref<1x1x2x128xi32, #tpu.memory_space<hbm>>
    %dma_start3A_29 = tpu.memref_squeeze %dma_start3A_28 : memref<1x1x2x128xi32, #tpu.memory_space<hbm>> -> memref<2x128xi32, #tpu.memory_space<hbm>>
    %dma_start3A_30 = arith.constant 0 : i32
    %dma_start3A_31 = arith.constant 0 : i32
    %dma_start3A_32 = tpu.memref_slice %arg6[%dma_start3A_21, %dma_start3A_30, %dma_start3A_31] : memref<4x2x128xi32, #tpu.memory_space<vmem>> -> memref<1x2x128xi32, #tpu.memory_space<vmem>>
    %dma_start3A_33 = tpu.memref_squeeze %dma_start3A_32 : memref<1x2x128xi32, #tpu.memory_space<vmem>> -> memref<2x128xi32, #tpu.memory_space<vmem>>
    %dma_start3A_34 = arith.constant 0 : i32
    %dma_start3A_35 = arith.constant 0 : i32
    %dma_start3A_36 = tpu.memref_slice %arg3[%add3A, %dma_start3A_20, %dma_start3A_34, %dma_start3A_35] : memref<32x79x2x128xi32, #tpu.memory_space<hbm>> -> memref<1x1x2x128xi32, #tpu.memory_space<hbm>>
    %dma_start3A_37 = tpu.memref_squeeze %dma_start3A_36 : memref<1x1x2x128xi32, #tpu.memory_space<hbm>> -> memref<2x128xi32, #tpu.memory_space<hbm>>
    tpu.enqueue_dma source(%dma_start3A_37 : memref<2x128xi32, #tpu.memory_space<hbm>>) target(%dma_start3A_33 : memref<2x128xi32, #tpu.memory_space<vmem>>) target_semaphore(%arg10 : memref<!tpu.dma_semaphore, #tpu.memory_space<semaphore_mem>>)
    %barrier3A = arith.constant 0 : index
    tpu.barrier barrier_id(%barrier3A)
    %dma_wait3A = arith.constant 0 : i32
    %dma_wait3A_38 = arith.constant 0 : i32
    %dma_wait3A_39 = arith.constant 0 : i32
    %dma_wait3A_40 = arith.constant 0 : i32
    %dma_wait3A_41 = tpu.memref_slice %arg6[%dma_wait3A_38, %dma_wait3A_39, %dma_wait3A_40] : memref<4x2x128xi32, #tpu.memory_space<vmem>> -> memref<1x2x128xi32, #tpu.memory_space<vmem>>
    %dma_wait3A_42 = tpu.memref_squeeze %dma_wait3A_41 : memref<1x2x128xi32, #tpu.memory_space<vmem>> -> memref<2x128xi32, #tpu.memory_space<vmem>>
    %dma_wait3A_43 = arith.constant 0 : i32
    %dma_wait3A_44 = arith.constant 0 : i32
    %dma_wait3A_45 = tpu.memref_slice %arg3[%add3A, %dma_wait3A, %dma_wait3A_43, %dma_wait3A_44] : memref<32x79x2x128xi32, #tpu.memory_space<hbm>> -> memref<1x1x2x128xi32, #tpu.memory_space<hbm>>
    %dma_wait3A_46 = tpu.memref_squeeze %dma_wait3A_45 : memref<1x1x2x128xi32, #tpu.memory_space<hbm>> -> memref<2x128xi32, #tpu.memory_space<hbm>>
    %dma_wait3A_47 = arith.constant 0 : i32
    %dma_wait3A_48 = arith.constant 0 : i32
    %dma_wait3A_49 = tpu.memref_slice %arg6[%dma_wait3A_38, %dma_wait3A_47, %dma_wait3A_48] : memref<4x2x128xi32, #tpu.memory_space<vmem>> -> memref<1x2x128xi32, #tpu.memory_space<vmem>>
    %dma_wait3A_50 = tpu.memref_squeeze %dma_wait3A_49 : memref<1x2x128xi32, #tpu.memory_space<vmem>> -> memref<2x128xi32, #tpu.memory_space<vmem>>
    %dma_wait3A_51 = arith.constant 0 : i32
    %dma_wait3A_52 = arith.constant 0 : i32
    %dma_wait3A_53 = tpu.memref_slice %arg3[%add3A, %dma_wait3A, %dma_wait3A_51, %dma_wait3A_52] : memref<32x79x2x128xi32, #tpu.memory_space<hbm>> -> memref<1x1x2x128xi32, #tpu.memory_space<hbm>>
    %dma_wait3A_54 = tpu.memref_squeeze %dma_wait3A_53 : memref<1x1x2x128xi32, #tpu.memory_space<hbm>> -> memref<2x128xi32, #tpu.memory_space<hbm>>
    tpu.wait_dma2 semaphore(%arg10 : memref<!tpu.dma_semaphore, #tpu.memory_space<semaphore_mem>>) src(%dma_wait3A_54 : memref<2x128xi32, #tpu.memory_space<hbm>>) dst(%dma_wait3A_50 : memref<2x128xi32, #tpu.memory_space<vmem>>)
    %dma_start3A_55 = arith.constant 0 : i32
    %dma_start3A_56 = arith.constant 0 : i32
    %dma_start3A_57 = arith.constant 0 : i32
    %dma_start3A_58 = arith.constant 0 : i32
    %dma_start3A_59 = arith.constant 0 : i32
    %dma_start3A_60 = tpu.memref_slice %arg7[%dma_start3A_57, %dma_start3A_58, %dma_start3A_59] : memref<2x128x128xf32, #tpu.memory_space<vmem>> -> memref<1x128x128xf32, #tpu.memory_space<vmem>>
    %dma_start3A_61 = tpu.memref_squeeze %dma_start3A_60 : memref<1x128x128xf32, #tpu.memory_space<vmem>> -> memref<128x128xf32, #tpu.memory_space<vmem>>
    %dma_start3A_62 = arith.constant 0 : i32
    %dma_start3A_63 = tpu.memref_slice %arg6[%dma_start3A_55, %dma_start3A_56, %dma_start3A_62] : memref<4x2x128xi32, #tpu.memory_space<vmem>> -> memref<1x1x128xi32, #tpu.memory_space<vmem>>
    %dma_start3A_64 = tpu.memref_squeeze %dma_start3A_63 : memref<1x1x128xi32, #tpu.memory_space<vmem>> -> memref<128xi32, #tpu.memory_space<vmem>>
    %dma_start3A_65 = arith.constant 0 : i32
    %dma_start3A_66 = arith.constant 0 : i32
    %dma_start3A_67 = tpu.memref_slice %arg2[%dma_start3A_65, %dma_start3A_66] : memref<10000x128xf32, #tpu.memory_space<hbm>> -> memref<10000x128xf32, #tpu.memory_space<hbm>>
    tpu.enqueue_indirect_dma source(%dma_start3A_67 : memref<10000x128xf32, #tpu.memory_space<hbm>>) target(%dma_start3A_61 : memref<128x128xf32, #tpu.memory_space<vmem>>) offsets(%dma_start3A_64 : memref<128xi32, #tpu.memory_space<vmem>>) semaphore(%arg9 : memref<!tpu.dma_semaphore, #tpu.memory_space<semaphore_mem>>)
    %scan3A = arith.constant 0 : i32
    %scan3A_68 = arith.constant 0 : i32
    %scan3A_69 = arith.constant 79 : i32
    %scan3A_70 = arith.addi %scan3A_68, %scan3A_69 : i32
    %scan3A_71 = arith.constant 1 : i32
    scf.for %scan3A_78 = %scan3A_68 to %scan3A_70 step %scan3A_71  : i32 {
      %rem3A = arith.constant 2 : i32
      %rem3A_79 = arith.remsi %scan3A_78, %rem3A : i32
      %rem3A_80 = arith.constant 4 : i32
      %rem3A_81 = arith.remsi %scan3A_78, %rem3A_80 : i32
      %add3A_82 = arith.constant 1 : i32
      %add3A_83 = arith.addi %scan3A_78, %add3A_82 : i32
      %lt3A = arith.constant 79 : i32
      %lt3A_84 = arith.cmpi slt, %add3A_83, %lt3A : i32
      %convert_element_type3A = arith.extui %lt3A_84 : i1 to i32
      %cond3A = arith.constant 0 : i32
      %cond3A_85 = arith.cmpi ne, %convert_element_type3A, %cond3A : i32
      scf.if %cond3A_85 {
        %add3A_97 = arith.constant 1 : i32
        %add3A_98 = arith.addi %scan3A_78, %add3A_97 : i32
        %rem3A_99 = arith.constant 4 : i32
        %rem3A_100 = arith.remsi %add3A_98, %rem3A_99 : i32
        %add3A_101 = arith.constant 1 : i32
        %add3A_102 = arith.addi %scan3A_78, %add3A_101 : i32
        %dma_wait3A_103 = arith.constant 0 : i32
        %dma_wait3A_104 = arith.constant 0 : i32
        %dma_wait3A_105 = tpu.memref_slice %arg6[%rem3A_100, %dma_wait3A_103, %dma_wait3A_104] : memref<4x2x128xi32, #tpu.memory_space<vmem>> -> memref<1x2x128xi32, #tpu.memory_space<vmem>>
        %dma_wait3A_106 = tpu.memref_squeeze %dma_wait3A_105 : memref<1x2x128xi32, #tpu.memory_space<vmem>> -> memref<2x128xi32, #tpu.memory_space<vmem>>
        %dma_wait3A_107 = arith.constant 0 : i32
        %dma_wait3A_108 = arith.constant 0 : i32
        %dma_wait3A_109 = tpu.memref_slice %arg3[%add3A, %add3A_102, %dma_wait3A_107, %dma_wait3A_108] : memref<32x79x2x128xi32, #tpu.memory_space<hbm>> -> memref<1x1x2x128xi32, #tpu.memory_space<hbm>>
        %dma_wait3A_110 = tpu.memref_squeeze %dma_wait3A_109 : memref<1x1x2x128xi32, #tpu.memory_space<hbm>> -> memref<2x128xi32, #tpu.memory_space<hbm>>
        %dma_wait3A_111 = arith.constant 0 : i32
        %dma_wait3A_112 = arith.constant 0 : i32
        %dma_wait3A_113 = tpu.memref_slice %arg6[%rem3A_100, %dma_wait3A_111, %dma_wait3A_112] : memref<4x2x128xi32, #tpu.memory_space<vmem>> -> memref<1x2x128xi32, #tpu.memory_space<vmem>>
        %dma_wait3A_114 = tpu.memref_squeeze %dma_wait3A_113 : memref<1x2x128xi32, #tpu.memory_space<vmem>> -> memref<2x128xi32, #tpu.memory_space<vmem>>
        %dma_wait3A_115 = arith.constant 0 : i32
        %dma_wait3A_116 = arith.constant 0 : i32
        %dma_wait3A_117 = tpu.memref_slice %arg3[%add3A, %add3A_102, %dma_wait3A_115, %dma_wait3A_116] : memref<32x79x2x128xi32, #tpu.memory_space<hbm>> -> memref<1x1x2x128xi32, #tpu.memory_space<hbm>>
        %dma_wait3A_118 = tpu.memref_squeeze %dma_wait3A_117 : memref<1x1x2x128xi32, #tpu.memory_space<hbm>> -> memref<2x128xi32, #tpu.memory_space<hbm>>
        tpu.wait_dma2 semaphore(%arg10 : memref<!tpu.dma_semaphore, #tpu.memory_space<semaphore_mem>>) src(%dma_wait3A_118 : memref<2x128xi32, #tpu.memory_space<hbm>>) dst(%dma_wait3A_114 : memref<2x128xi32, #tpu.memory_space<vmem>>)
        %sub3A = arith.constant 1 : i32
        %sub3A_119 = arith.subi %sub3A, %rem3A_79 : i32
        %dma_start3A_120 = arith.constant 0 : i32
        %dma_start3A_121 = arith.constant 0 : i32
        %dma_start3A_122 = arith.constant 0 : i32
        %dma_start3A_123 = tpu.memref_slice %arg7[%sub3A_119, %dma_start3A_121, %dma_start3A_122] : memref<2x128x128xf32, #tpu.memory_space<vmem>> -> memref<1x128x128xf32, #tpu.memory_space<vmem>>
        %dma_start3A_124 = tpu.memref_squeeze %dma_start3A_123 : memref<1x128x128xf32, #tpu.memory_space<vmem>> -> memref<128x128xf32, #tpu.memory_space<vmem>>
        %dma_start3A_125 = arith.constant 0 : i32
        %dma_start3A_126 = tpu.memref_slice %arg6[%rem3A_100, %dma_start3A_120, %dma_start3A_125] : memref<4x2x128xi32, #tpu.memory_space<vmem>> -> memref<1x1x128xi32, #tpu.memory_space<vmem>>
        %dma_start3A_127 = tpu.memref_squeeze %dma_start3A_126 : memref<1x1x128xi32, #tpu.memory_space<vmem>> -> memref<128xi32, #tpu.memory_space<vmem>>
        %dma_start3A_128 = arith.constant 0 : i32
        %dma_start3A_129 = arith.constant 0 : i32
        %dma_start3A_130 = tpu.memref_slice %arg2[%dma_start3A_128, %dma_start3A_129] : memref<10000x128xf32, #tpu.memory_space<hbm>> -> memref<10000x128xf32, #tpu.memory_space<hbm>>
        tpu.enqueue_indirect_dma source(%dma_start3A_130 : memref<10000x128xf32, #tpu.memory_space<hbm>>) target(%dma_start3A_124 : memref<128x128xf32, #tpu.memory_space<vmem>>) offsets(%dma_start3A_127 : memref<128xi32, #tpu.memory_space<vmem>>) semaphore(%arg9 : memref<!tpu.dma_semaphore, #tpu.memory_space<semaphore_mem>>)
        %add3A_131 = arith.constant 2 : i32
        %add3A_132 = arith.addi %scan3A_78, %add3A_131 : i32
        %lt3A_133 = arith.constant 79 : i32
        %lt3A_134 = arith.cmpi slt, %add3A_132, %lt3A_133 : i32
        %convert_element_type3A_135 = arith.extui %lt3A_134 : i1 to i32
        %cond3A_136 = arith.constant 0 : i32
        %cond3A_137 = arith.cmpi ne, %convert_element_type3A_135, %cond3A_136 : i32
        scf.if %cond3A_137 {
          %add3A_138 = arith.constant 2 : i32
          %add3A_139 = arith.addi %scan3A_78, %add3A_138 : i32
          %add3A_140 = arith.constant 2 : i32
          %add3A_141 = arith.addi %scan3A_78, %add3A_140 : i32
          %rem3A_142 = arith.constant 4 : i32
          %rem3A_143 = arith.remsi %add3A_141, %rem3A_142 : i32
          %dma_start3A_144 = arith.constant 0 : i32
          %dma_start3A_145 = arith.constant 0 : i32
          %dma_start3A_146 = tpu.memref_slice %arg6[%rem3A_143, %dma_start3A_144, %dma_start3A_145] : memref<4x2x128xi32, #tpu.memory_space<vmem>> -> memref<1x2x128xi32, #tpu.memory_space<vmem>>
          %dma_start3A_147 = tpu.memref_squeeze %dma_start3A_146 : memref<1x2x128xi32, #tpu.memory_space<vmem>> -> memref<2x128xi32, #tpu.memory_space<vmem>>
          %dma_start3A_148 = arith.constant 0 : i32
          %dma_start3A_149 = arith.constant 0 : i32
          %dma_start3A_150 = tpu.memref_slice %arg3[%add3A, %add3A_139, %dma_start3A_148, %dma_start3A_149] : memref<32x79x2x128xi32, #tpu.memory_space<hbm>> -> memref<1x1x2x128xi32, #tpu.memory_space<hbm>>
          %dma_start3A_151 = tpu.memref_squeeze %dma_start3A_150 : memref<1x1x2x128xi32, #tpu.memory_space<hbm>> -> memref<2x128xi32, #tpu.memory_space<hbm>>
          %dma_start3A_152 = arith.constant 0 : i32
          %dma_start3A_153 = arith.constant 0 : i32
          %dma_start3A_154 = tpu.memref_slice %arg6[%rem3A_143, %dma_start3A_152, %dma_start3A_153] : memref<4x2x128xi32, #tpu.memory_space<vmem>> -> memref<1x2x128xi32, #tpu.memory_space<vmem>>
          %dma_start3A_155 = tpu.memref_squeeze %dma_start3A_154 : memref<1x2x128xi32, #tpu.memory_space<vmem>> -> memref<2x128xi32, #tpu.memory_space<vmem>>
          %dma_start3A_156 = arith.constant 0 : i32
          %dma_start3A_157 = arith.constant 0 : i32
          %dma_start3A_158 = tpu.memref_slice %arg3[%add3A, %add3A_139, %dma_start3A_156, %dma_start3A_157] : memref<32x79x2x128xi32, #tpu.memory_space<hbm>> -> memref<1x1x2x128xi32, #tpu.memory_space<hbm>>
          %dma_start3A_159 = tpu.memref_squeeze %dma_start3A_158 : memref<1x1x2x128xi32, #tpu.memory_space<hbm>> -> memref<2x128xi32, #tpu.memory_space<hbm>>
          tpu.enqueue_dma source(%dma_start3A_159 : memref<2x128xi32, #tpu.memory_space<hbm>>) target(%dma_start3A_155 : memref<2x128xi32, #tpu.memory_space<vmem>>) target_semaphore(%arg10 : memref<!tpu.dma_semaphore, #tpu.memory_space<semaphore_mem>>)
        } else {
        }
      } else {
      }
      %dma_wait3A_86 = arith.constant 0 : i32
      %dma_wait3A_87 = arith.constant 0 : i32
      %dma_wait3A_88 = arith.constant 0 : i32
      %dma_wait3A_89 = tpu.memref_slice %arg7[%rem3A_79, %dma_wait3A_87, %dma_wait3A_88] : memref<2x128x128xf32, #tpu.memory_space<vmem>> -> memref<1x128x128xf32, #tpu.memory_space<vmem>>
      %dma_wait3A_90 = tpu.memref_squeeze %dma_wait3A_89 : memref<1x128x128xf32, #tpu.memory_space<vmem>> -> memref<128x128xf32, #tpu.memory_space<vmem>>
      %dma_wait3A_91 = arith.constant 0 : i32
      %dma_wait3A_92 = tpu.memref_slice %arg6[%rem3A_81, %dma_wait3A_86, %dma_wait3A_91] : memref<4x2x128xi32, #tpu.memory_space<vmem>> -> memref<1x1x128xi32, #tpu.memory_space<vmem>>
      %dma_wait3A_93 = tpu.memref_squeeze %dma_wait3A_92 : memref<1x1x128xi32, #tpu.memory_space<vmem>> -> memref<128xi32, #tpu.memory_space<vmem>>
      %dma_wait3A_94 = arith.constant 0 : i32
      %dma_wait3A_95 = arith.constant 0 : i32
      %dma_wait3A_96 = tpu.memref_slice %arg2[%dma_wait3A_94, %dma_wait3A_95] : memref<10000x128xf32, #tpu.memory_space<hbm>> -> memref<10000x128xf32, #tpu.memory_space<hbm>>
      tpu.wait_indirect_dma semaphore(%arg9 : memref<!tpu.dma_semaphore, #tpu.memory_space<semaphore_mem>>) src(%dma_wait3A_96 : memref<10000x128xf32, #tpu.memory_space<hbm>>) dst(%dma_wait3A_90 : memref<128x128xf32, #tpu.memory_space<vmem>>)
      %run_scoped3A = arith.constant 1 : i32
      "tpu.region"() ({
        %run_scoped3A_97 = tpu.sem_alloc : memref<!tpu.dma_semaphore, #tpu.memory_space<semaphore_mem>>
        %dma_start3A_98 = arith.constant 0 : i32
        %dma_start3A_99 = arith.constant 0 : i32
        %dma_start3A_100 = tpu.memref_slice %arg7[%rem3A_79, %dma_start3A_98, %dma_start3A_99] : memref<2x128x128xf32, #tpu.memory_space<vmem>> -> memref<1x128x128xf32, #tpu.memory_space<vmem>>
        %dma_start3A_101 = tpu.memref_squeeze %dma_start3A_100 : memref<1x128x128xf32, #tpu.memory_space<vmem>> -> memref<128x128xf32, #tpu.memory_space<vmem>>
        %dma_start3A_102 = arith.constant 0 : i32
        %dma_start3A_103 = tpu.memref_slice %arg6[%rem3A_81, %run_scoped3A, %dma_start3A_102] : memref<4x2x128xi32, #tpu.memory_space<vmem>> -> memref<1x1x128xi32, #tpu.memory_space<vmem>>
        %dma_start3A_104 = tpu.memref_squeeze %dma_start3A_103 : memref<1x1x128xi32, #tpu.memory_space<vmem>> -> memref<128xi32, #tpu.memory_space<vmem>>
        %dma_start3A_105 = arith.constant 0 : i32
        %dma_start3A_106 = arith.constant 0 : i32
        %dma_start3A_107 = tpu.memref_slice %arg8[%dma_start3A_105, %dma_start3A_106] : memref<10240x128xf32, #tpu.memory_space<vmem_shared>> -> memref<10240x128xf32, #tpu.memory_space<vmem_shared>>
        tpu.enqueue_indirect_dma source(%dma_start3A_101 : memref<128x128xf32, #tpu.memory_space<vmem>>) target(%dma_start3A_107 : memref<10240x128xf32, #tpu.memory_space<vmem_shared>>) offsets(%dma_start3A_104 : memref<128xi32, #tpu.memory_space<vmem>>) semaphore(%run_scoped3A_97 : memref<!tpu.dma_semaphore, #tpu.memory_space<semaphore_mem>>) {add = true}
        %dma_wait3A_108 = arith.constant 0 : i32
        %dma_wait3A_109 = arith.constant 0 : i32
        %dma_wait3A_110 = tpu.memref_slice %arg7[%rem3A_79, %dma_wait3A_108, %dma_wait3A_109] : memref<2x128x128xf32, #tpu.memory_space<vmem>> -> memref<1x128x128xf32, #tpu.memory_space<vmem>>
        %dma_wait3A_111 = tpu.memref_squeeze %dma_wait3A_110 : memref<1x128x128xf32, #tpu.memory_space<vmem>> -> memref<128x128xf32, #tpu.memory_space<vmem>>
        %dma_wait3A_112 = arith.constant 0 : i32
        %dma_wait3A_113 = tpu.memref_slice %arg6[%rem3A_81, %run_scoped3A, %dma_wait3A_112] : memref<4x2x128xi32, #tpu.memory_space<vmem>> -> memref<1x1x128xi32, #tpu.memory_space<vmem>>
        %dma_wait3A_114 = tpu.memref_squeeze %dma_wait3A_113 : memref<1x1x128xi32, #tpu.memory_space<vmem>> -> memref<128xi32, #tpu.memory_space<vmem>>
        %dma_wait3A_115 = arith.constant 0 : i32
        %dma_wait3A_116 = arith.constant 0 : i32
        %dma_wait3A_117 = tpu.memref_slice %arg8[%dma_wait3A_115, %dma_wait3A_116] : memref<10240x128xf32, #tpu.memory_space<vmem_shared>> -> memref<10240x128xf32, #tpu.memory_space<vmem_shared>>
        tpu.wait_indirect_dma semaphore(%run_scoped3A_97 : memref<!tpu.dma_semaphore, #tpu.memory_space<semaphore_mem>>) src(%dma_wait3A_111 : memref<128x128xf32, #tpu.memory_space<vmem>>) dst(%dma_wait3A_117 : memref<10240x128xf32, #tpu.memory_space<vmem_shared>>)
        tpu.yield
      }) : () -> ()
    }
    %scan3A_72 = arith.constant 79 : i32
    %barrier3A_73 = arith.constant 0 : index
    tpu.barrier barrier_id(%barrier3A_73)
    %mul3A_74 = arith.constant 640 : i32
    %mul3A_75 = arith.muli %arg1, %mul3A_74 : i32
    %mul3A_76 = arith.constant 640 : i32
    %mul3A_77 = arith.muli %arg1, %mul3A_76 : i32
    "tpu.region"() ({
      %run_scoped3A = tpu.sem_alloc : memref<!tpu.dma_semaphore, #tpu.memory_space<semaphore_mem>>
      %dma_start3A_78 = arith.constant 0 : i32
      %dma_start3A_79 = tpu.memref_slice %arg5[%arg0, %mul3A_77, %dma_start3A_78] : memref<2x10240x128xf32, #tpu.memory_space<hbm>> -> memref<1x640x128xf32, #tpu.memory_space<hbm>>
      %dma_start3A_80 = tpu.memref_squeeze %dma_start3A_79 : memref<1x640x128xf32, #tpu.memory_space<hbm>> -> memref<640x128xf32, #tpu.memory_space<hbm>>
      %dma_start3A_81 = arith.constant 0 : i32
      %dma_start3A_82 = tpu.memref_slice %arg8[%mul3A_75, %dma_start3A_81] : memref<10240x128xf32, #tpu.memory_space<vmem_shared>> -> memref<640x128xf32, #tpu.memory_space<vmem_shared>>
      tpu.enqueue_dma source(%dma_start3A_82 : memref<640x128xf32, #tpu.memory_space<vmem_shared>>) target(%dma_start3A_80 : memref<640x128xf32, #tpu.memory_space<hbm>>) target_semaphore(%run_scoped3A : memref<!tpu.dma_semaphore, #tpu.memory_space<semaphore_mem>>)
      %dma_wait3A_83 = arith.constant 0 : i32
      %dma_wait3A_84 = tpu.memref_slice %arg5[%arg0, %mul3A_77, %dma_wait3A_83] : memref<2x10240x128xf32, #tpu.memory_space<hbm>> -> memref<1x640x128xf32, #tpu.memory_space<hbm>>
      %dma_wait3A_85 = tpu.memref_squeeze %dma_wait3A_84 : memref<1x640x128xf32, #tpu.memory_space<hbm>> -> memref<640x128xf32, #tpu.memory_space<hbm>>
      %dma_wait3A_86 = arith.constant 0 : i32
      %dma_wait3A_87 = tpu.memref_slice %arg8[%mul3A_75, %dma_wait3A_86] : memref<10240x128xf32, #tpu.memory_space<vmem_shared>> -> memref<640x128xf32, #tpu.memory_space<vmem_shared>>
      tpu.wait_dma2 semaphore(%run_scoped3A : memref<!tpu.dma_semaphore, #tpu.memory_space<semaphore_mem>>) src(%dma_wait3A_87 : memref<640x128xf32, #tpu.memory_space<vmem_shared>>) dst(%dma_wait3A_85 : memref<640x128xf32, #tpu.memory_space<hbm>>)
      tpu.yield
    }) : () -> ()
    return
  }
}

module attributes {stable_mosaic.version = 14 : i64} {
  func.func @_tc1_body(%arg0: i32, %arg1: memref<1x2000x128xf32, #tpu.memory_space<vmem>>, %arg2: memref<1x2000x128xf32, #tpu.memory_space<vmem>>, %arg3: memref<2000x2xf32, #tpu.memory_space<vmem>>, %arg4: memref<2000x128xf32, #tpu.memory_space<vmem>>, %arg5: memref<128x128xf32, #tpu.memory_space<vmem>>, %arg6: memref<128xf32, #tpu.memory_space<vmem>>, %arg7: memref<128x128xf32, #tpu.memory_space<vmem>>, %arg8: memref<2000x128xf32, #tpu.memory_space<vmem>>) attributes {dimension_semantics = [#tpu.dimension_semantics<arbitrary>], iteration_bounds = array<i64: 5>, scalar_prefetch = 0 : i64, scratch_operands = 0 : i64, tpu.core_type = #tpu.core_type<tc>, window_params = [{transform_indices = @transform_0, window_bounds = array<i64: 1, 2000, 128>}, {transform_indices = @transform_1, window_bounds = array<i64: 1, 2000, 128>}, {transform_indices = @transform_2, window_bounds = array<i64: 2000, 2>}, {transform_indices = @transform_3, window_bounds = array<i64: 2000, 128>}, {pipeline_mode = #tpu.pipeline_mode<synchronous>, transform_indices = @transform_4, window_bounds = array<i64: 128, 128>}, {pipeline_mode = #tpu.pipeline_mode<synchronous>, transform_indices = @transform_5, window_bounds = array<i64: 128>}, {pipeline_mode = #tpu.pipeline_mode<synchronous>, transform_indices = @transform_6, window_bounds = array<i64: 128, 128>}, {transform_indices = @transform_7, window_bounds = array<i64: 2000, 128>}]} {
    %get3A = arith.constant 0 : index
    %get3A_0 = arith.constant 0 : index
    %get3A_1 = vector.load %arg3[%get3A, %get3A_0] : memref<2000x2xf32, #tpu.memory_space<vmem>>, vector<2000x2xf32>
    %reduce_sum3A = arith.constant dense<0.000000e+00> : vector<2000xf32>
    %reduce_sum3A_2 = vector.multi_reduction <add>, %get3A_1, %reduce_sum3A [1] : vector<2000x2xf32> to vector<2000xf32>
    %broadcast_in_dim3A = vector.shape_cast %reduce_sum3A_2 : vector<2000xf32> to vector<2000x1xf32>
    %get3A_3 = arith.constant 0 : index
    %get3A_4 = arith.constant 0 : index
    %get3A_5 = arith.constant 0 : index
    %get3A_6 = vector.load %arg1[%get3A_3, %get3A_4, %get3A_5] : memref<1x2000x128xf32, #tpu.memory_space<vmem>>, vector<1x2000x128xf32>
    %squeeze3A = vector.shape_cast %get3A_6 : vector<1x2000x128xf32> to vector<2000x128xf32>
    %get3A_7 = arith.constant 0 : index
    %get3A_8 = arith.constant 0 : index
    %get3A_9 = arith.constant 0 : index
    %get3A_10 = vector.load %arg2[%get3A_7, %get3A_8, %get3A_9] : memref<1x2000x128xf32, #tpu.memory_space<vmem>>, vector<1x2000x128xf32>
    %squeeze3A_11 = vector.shape_cast %get3A_10 : vector<1x2000x128xf32> to vector<2000x128xf32>
    %add3A = arith.addf %squeeze3A, %squeeze3A_11 : vector<2000x128xf32>
    %max3A = arith.constant 1.000000e+00 : f32
    %max3A_12 = vector.broadcast %max3A : f32 to vector<2000x1xf32>
    %max3A_13 = arith.maximumf %broadcast_in_dim3A, %max3A_12 : vector<2000x1xf32>
    %div3A = vector.broadcast %max3A_13 : vector<2000x1xf32> to vector<2000x128xf32>
    %div3A_14 = arith.divf %add3A, %div3A : vector<2000x128xf32>
    %get3A_15 = arith.constant 0 : index
    %get3A_16 = arith.constant 0 : index
    %get3A_17 = vector.load %arg5[%get3A_15, %get3A_16] : memref<128x128xf32, #tpu.memory_space<vmem>>, vector<128x128xf32>
    %dot_general3A = arith.constant dense<0.000000e+00> : vector<2000x128xf32>
    %dot_general3A_18 = tpu.matmul %div3A_14, %get3A_17, %dot_general3A {dimension_numbers = #tpu.dot_dimension_numbers<[1], [1], [0], [0], [0, 0, 1, 0], [], []>, transpose_lhs_hint = false} : vector<2000x128xf32>, vector<128x128xf32>, vector<2000x128xf32> -> vector<2000x128xf32>
    %get3A_19 = arith.constant 0 : index
    %get3A_20 = arith.constant 0 : index
    %get3A_21 = vector.load %arg4[%get3A_19, %get3A_20] : memref<2000x128xf32, #tpu.memory_space<vmem>>, vector<2000x128xf32>
    %get3A_22 = arith.constant 0 : index
    %get3A_23 = arith.constant 0 : index
    %get3A_24 = vector.load %arg7[%get3A_22, %get3A_23] : memref<128x128xf32, #tpu.memory_space<vmem>>, vector<128x128xf32>
    %dot_general3A_25 = arith.constant dense<0.000000e+00> : vector<2000x128xf32>
    %dot_general3A_26 = tpu.matmul %get3A_21, %get3A_24, %dot_general3A_25 {dimension_numbers = #tpu.dot_dimension_numbers<[1], [1], [0], [0], [0, 0, 1, 0], [], []>, transpose_lhs_hint = false} : vector<2000x128xf32>, vector<128x128xf32>, vector<2000x128xf32> -> vector<2000x128xf32>
    %add3A_27 = arith.addf %dot_general3A_18, %dot_general3A_26 : vector<2000x128xf32>
    %get3A_28 = arith.constant 0 : index
    %get3A_29 = vector.load %arg6[%get3A_28] : memref<128xf32, #tpu.memory_space<vmem>>, vector<128xf32>
    %broadcast_in_dim3A_30 = vector.shape_cast %get3A_29 : vector<128xf32> to vector<1x128xf32>
    %add3A_31 = vector.broadcast %broadcast_in_dim3A_30 : vector<1x128xf32> to vector<2000x128xf32>
    %add3A_32 = arith.addf %add3A_27, %add3A_31 : vector<2000x128xf32>
    %max3A_33 = arith.constant 0.000000e+00 : f32
    %max3A_34 = vector.broadcast %max3A_33 : f32 to vector<2000x128xf32>
    %max3A_35 = arith.maximumf %add3A_32, %max3A_34 : vector<2000x128xf32>
    %swap3A = arith.constant 0 : index
    %swap3A_36 = arith.constant 0 : index
    %swap3A_37 = vector.load %arg8[%swap3A, %swap3A_36] : memref<2000x128xf32, #tpu.memory_space<vmem>>, vector<2000x128xf32>
    tpu.vector_store %arg8[%swap3A, %swap3A_36], %max3A_35 {strides = array<i32>} : memref<2000x128xf32, #tpu.memory_space<vmem>>, vector<2000x128xf32>,
    return
  }
  func.func @transform_0(%arg0: i32) -> (i32, i32, i32) {
    %c0_i32 = arith.constant 0 : i32
    %c0_i32_0 = arith.constant 0 : i32
    %c0_i32_1 = arith.constant 0 : i32
    return %c0_i32, %arg0, %c0_i32_0 : i32, i32, i32
  }
  func.func @transform_1(%arg0: i32) -> (i32, i32, i32) {
    %c1_i32 = arith.constant 1 : i32
    %c0_i32 = arith.constant 0 : i32
    %c0_i32_0 = arith.constant 0 : i32
    return %c1_i32, %arg0, %c0_i32 : i32, i32, i32
  }
  func.func @transform_2(%arg0: i32) -> (i32, i32) {
    %c0_i32 = arith.constant 0 : i32
    %c0_i32_0 = arith.constant 0 : i32
    return %arg0, %c0_i32 : i32, i32
  }
  func.func @transform_3(%arg0: i32) -> (i32, i32) {
    %c0_i32 = arith.constant 0 : i32
    %c0_i32_0 = arith.constant 0 : i32
    return %arg0, %c0_i32 : i32, i32
  }
  func.func @transform_4(%arg0: i32) -> (i32, i32) {
    %c0_i32 = arith.constant 0 : i32
    %c0_i32_0 = arith.constant 0 : i32
    %c0_i32_1 = arith.constant 0 : i32
    return %c0_i32, %c0_i32_0 : i32, i32
  }
  func.func @transform_5(%arg0: i32) -> i32 {
    %c0_i32 = arith.constant 0 : i32
    %c0_i32_0 = arith.constant 0 : i32
    return %c0_i32 : i32
  }
  func.func @transform_6(%arg0: i32) -> (i32, i32) {
    %c0_i32 = arith.constant 0 : i32
    %c0_i32_0 = arith.constant 0 : i32
    %c0_i32_1 = arith.constant 0 : i32
    return %c0_i32, %c0_i32_0 : i32, i32
  }
  func.func @transform_7(%arg0: i32) -> (i32, i32) {
    %c0_i32 = arith.constant 0 : i32
    %c0_i32_0 = arith.constant 0 : i32
    return %arg0, %c0_i32 : i32, i32
  }
}

module attributes {stable_mosaic.version = 14 : i64} {
  func.func @_tc2_body(%arg0: i32, %arg1: memref<1x2000x128xf32, #tpu.memory_space<vmem>>, %arg2: memref<1x2000x128xf32, #tpu.memory_space<vmem>>, %arg3: memref<2000x2xf32, #tpu.memory_space<vmem>>, %arg4: memref<2000x128xf32, #tpu.memory_space<vmem>>, %arg5: memref<1x1x2000xi32, #tpu.memory_space<vmem>>, %arg6: memref<128x128xf32, #tpu.memory_space<vmem>>, %arg7: memref<128xf32, #tpu.memory_space<vmem>>, %arg8: memref<128x128xf32, #tpu.memory_space<vmem>>, %arg9: memref<1x128xf32, #tpu.memory_space<vmem>>, %arg10: memref<1xf32, #tpu.memory_space<smem>>, %arg11: memref<16xf32, #tpu.memory_space<vmem>>, %arg12: memref<16x128xf32, #tpu.memory_space<vmem>>, %arg13: memref<16x128xf32, #tpu.memory_space<vmem>>) attributes {dimension_semantics = [#tpu.dimension_semantics<arbitrary>], iteration_bounds = array<i64: 5>, scalar_prefetch = 0 : i64, scratch_operands = 2 : i64, tpu.core_type = #tpu.core_type<tc>, window_params = [{transform_indices = @transform_0, window_bounds = array<i64: 1, 2000, 128>}, {transform_indices = @transform_1, window_bounds = array<i64: 1, 2000, 128>}, {transform_indices = @transform_2, window_bounds = array<i64: 2000, 2>}, {transform_indices = @transform_3, window_bounds = array<i64: 2000, 128>}, {transform_indices = @transform_4, window_bounds = array<i64: 1, 1, 2000>}, {pipeline_mode = #tpu.pipeline_mode<synchronous>, transform_indices = @transform_5, window_bounds = array<i64: 128, 128>}, {pipeline_mode = #tpu.pipeline_mode<synchronous>, transform_indices = @transform_6, window_bounds = array<i64: 128>}, {pipeline_mode = #tpu.pipeline_mode<synchronous>, transform_indices = @transform_7, window_bounds = array<i64: 128, 128>}, {pipeline_mode = #tpu.pipeline_mode<synchronous>, transform_indices = @transform_8, window_bounds = array<i64: 1, 128>}, {transform_indices = @transform_9, window_bounds = array<i64: 1>}, {pipeline_mode = #tpu.pipeline_mode<synchronous>, transform_indices = @transform_10, window_bounds = array<i64: 16>}]} {
    %get3A = arith.constant 0 : index
    %get3A_0 = arith.constant 0 : index
    %get3A_1 = vector.load %arg3[%get3A, %get3A_0] : memref<2000x2xf32, #tpu.memory_space<vmem>>, vector<2000x2xf32>
    %reduce_sum3A = arith.constant dense<0.000000e+00> : vector<2000xf32>
    %reduce_sum3A_2 = vector.multi_reduction <add>, %get3A_1, %reduce_sum3A [1] : vector<2000x2xf32> to vector<2000xf32>
    %broadcast_in_dim3A = vector.shape_cast %reduce_sum3A_2 : vector<2000xf32> to vector<2000x1xf32>
    %get3A_3 = arith.constant 0 : index
    %get3A_4 = arith.constant 0 : index
    %get3A_5 = arith.constant 0 : index
    %get3A_6 = vector.load %arg1[%get3A_3, %get3A_4, %get3A_5] : memref<1x2000x128xf32, #tpu.memory_space<vmem>>, vector<1x2000x128xf32>
    %squeeze3A = vector.shape_cast %get3A_6 : vector<1x2000x128xf32> to vector<2000x128xf32>
    %get3A_7 = arith.constant 0 : index
    %get3A_8 = arith.constant 0 : index
    %get3A_9 = arith.constant 0 : index
    %get3A_10 = vector.load %arg2[%get3A_7, %get3A_8, %get3A_9] : memref<1x2000x128xf32, #tpu.memory_space<vmem>>, vector<1x2000x128xf32>
    %squeeze3A_11 = vector.shape_cast %get3A_10 : vector<1x2000x128xf32> to vector<2000x128xf32>
    %add3A = arith.addf %squeeze3A, %squeeze3A_11 : vector<2000x128xf32>
    %max3A = arith.constant 1.000000e+00 : f32
    %max3A_12 = vector.broadcast %max3A : f32 to vector<2000x1xf32>
    %max3A_13 = arith.maximumf %broadcast_in_dim3A, %max3A_12 : vector<2000x1xf32>
    %div3A = vector.broadcast %max3A_13 : vector<2000x1xf32> to vector<2000x128xf32>
    %div3A_14 = arith.divf %add3A, %div3A : vector<2000x128xf32>
    %get3A_15 = arith.constant 0 : index
    %get3A_16 = arith.constant 0 : index
    %get3A_17 = vector.load %arg6[%get3A_15, %get3A_16] : memref<128x128xf32, #tpu.memory_space<vmem>>, vector<128x128xf32>
    %dot_general3A = arith.constant dense<0.000000e+00> : vector<2000x128xf32>
    %dot_general3A_18 = tpu.matmul %div3A_14, %get3A_17, %dot_general3A {dimension_numbers = #tpu.dot_dimension_numbers<[1], [1], [0], [0], [0, 0, 1, 0], [], []>, transpose_lhs_hint = false} : vector<2000x128xf32>, vector<128x128xf32>, vector<2000x128xf32> -> vector<2000x128xf32>
    %get3A_19 = arith.constant 0 : index
    %get3A_20 = arith.constant 0 : index
    %get3A_21 = vector.load %arg4[%get3A_19, %get3A_20] : memref<2000x128xf32, #tpu.memory_space<vmem>>, vector<2000x128xf32>
    %get3A_22 = arith.constant 0 : index
    %get3A_23 = arith.constant 0 : index
    %get3A_24 = vector.load %arg8[%get3A_22, %get3A_23] : memref<128x128xf32, #tpu.memory_space<vmem>>, vector<128x128xf32>
    %dot_general3A_25 = arith.constant dense<0.000000e+00> : vector<2000x128xf32>
    %dot_general3A_26 = tpu.matmul %get3A_21, %get3A_24, %dot_general3A_25 {dimension_numbers = #tpu.dot_dimension_numbers<[1], [1], [0], [0], [0, 0, 1, 0], [], []>, transpose_lhs_hint = false} : vector<2000x128xf32>, vector<128x128xf32>, vector<2000x128xf32> -> vector<2000x128xf32>
    %add3A_27 = arith.addf %dot_general3A_18, %dot_general3A_26 : vector<2000x128xf32>
    %get3A_28 = arith.constant 0 : index
    %get3A_29 = vector.load %arg7[%get3A_28] : memref<128xf32, #tpu.memory_space<vmem>>, vector<128xf32>
    %broadcast_in_dim3A_30 = vector.shape_cast %get3A_29 : vector<128xf32> to vector<1x128xf32>
    %add3A_31 = vector.broadcast %broadcast_in_dim3A_30 : vector<1x128xf32> to vector<2000x128xf32>
    %add3A_32 = arith.addf %add3A_27, %add3A_31 : vector<2000x128xf32>
    %max3A_33 = arith.constant 0.000000e+00 : f32
    %max3A_34 = vector.broadcast %max3A_33 : f32 to vector<2000x128xf32>
    %max3A_35 = arith.maximumf %add3A_32, %max3A_34 : vector<2000x128xf32>
    %get3A_36 = arith.constant 0 : index
    %get3A_37 = arith.constant 0 : index
    %get3A_38 = arith.constant 0 : index
    %get3A_39 = vector.load %arg5[%get3A_36, %get3A_37, %get3A_38] : memref<1x1x2000xi32, #tpu.memory_space<vmem>>, vector<1x1x2000xi32>
    %squeeze3A_40 = vector.shape_cast %get3A_39 : vector<1x1x2000xi32> to vector<2000xi32>
    %iota3A = tpu.iota {dimensions = array<i32: 0>} : vector<16x2000xi32>
    %broadcast_in_dim3A_41 = vector.shape_cast %squeeze3A_40 : vector<2000xi32> to vector<1x2000xi32>
    %eq3A = vector.broadcast %broadcast_in_dim3A_41 : vector<1x2000xi32> to vector<16x2000xi32>
    %eq3A_42 = arith.cmpi eq, %iota3A, %eq3A : vector<16x2000xi32>
    %convert_element_type3A = arith.extui %eq3A_42 : vector<16x2000xi1> to vector<16x2000xi32>
    %convert_element_type3A_43 = arith.sitofp %convert_element_type3A : vector<16x2000xi32> to vector<16x2000xf32>
    %dot_general3A_44 = arith.constant dense<0.000000e+00> : vector<16x128xf32>
    %dot_general3A_45 = tpu.matmul %convert_element_type3A_43, %max3A_35, %dot_general3A_44 {dimension_numbers = #tpu.dot_dimension_numbers<[1], [0], [0], [1], [0, 0, 1, 1], [], []>, precision = #tpu.contract_precision<fp32>, transpose_lhs_hint = false} : vector<16x2000xf32>, vector<2000x128xf32>, vector<16x128xf32> -> vector<16x128xf32>
    %broadcast_in_dim3A_46 = arith.constant 1.000000e+00 : f32
    %broadcast_in_dim3A_47 = vector.broadcast %broadcast_in_dim3A_46 : f32 to vector<2000x128xf32>
    %dot_general3A_48 = arith.constant dense<0.000000e+00> : vector<16x128xf32>
    %dot_general3A_49 = tpu.matmul %convert_element_type3A_43, %broadcast_in_dim3A_47, %dot_general3A_48 {dimension_numbers = #tpu.dot_dimension_numbers<[1], [0], [0], [1], [0, 0, 1, 1], [], []>, transpose_lhs_hint = false} : vector<16x2000xf32>, vector<2000x128xf32>, vector<16x128xf32> -> vector<16x128xf32>
    %eq3A_50 = arith.constant 0 : i32
    %eq3A_51 = arith.cmpi eq, %arg0, %eq3A_50 : i32
    %convert_element_type3A_52 = arith.extui %eq3A_51 : i1 to i32
    %cond3A = arith.constant 0 : i32
    %cond3A_53 = arith.cmpi ne, %convert_element_type3A_52, %cond3A : i32
    scf.if %cond3A_53 {
      %swap3A = arith.constant 0 : index
      %swap3A_63 = arith.constant 0 : index
      %swap3A_64 = vector.load %arg12[%swap3A, %swap3A_63] : memref<16x128xf32, #tpu.memory_space<vmem>>, vector<16x128xf32>
      tpu.vector_store %arg12[%swap3A, %swap3A_63], %dot_general3A_45 {strides = array<i32>} : memref<16x128xf32, #tpu.memory_space<vmem>>, vector<16x128xf32>,
      %swap3A_65 = arith.constant 0 : index
      %swap3A_66 = arith.constant 0 : index
      %swap3A_67 = vector.load %arg13[%swap3A_65, %swap3A_66] : memref<16x128xf32, #tpu.memory_space<vmem>>, vector<16x128xf32>
      tpu.vector_store %arg13[%swap3A_65, %swap3A_66], %dot_general3A_49 {strides = array<i32>} : memref<16x128xf32, #tpu.memory_space<vmem>>, vector<16x128xf32>,
    } else {
    }
    %gt3A = arith.constant 0 : i32
    %gt3A_54 = arith.cmpi sgt, %arg0, %gt3A : i32
    %convert_element_type3A_55 = arith.extui %gt3A_54 : i1 to i32
    %cond3A_56 = arith.constant 0 : i32
    %cond3A_57 = arith.cmpi ne, %convert_element_type3A_55, %cond3A_56 : i32
    scf.if %cond3A_57 {
      %get3A_63 = arith.constant 0 : index
      %get3A_64 = arith.constant 0 : index
      %get3A_65 = vector.load %arg12[%get3A_63, %get3A_64] : memref<16x128xf32, #tpu.memory_space<vmem>>, vector<16x128xf32>
      %add3A_66 = arith.addf %get3A_65, %dot_general3A_45 : vector<16x128xf32>
      %swap3A = arith.constant 0 : index
      %swap3A_67 = arith.constant 0 : index
      %swap3A_68 = vector.load %arg12[%swap3A, %swap3A_67] : memref<16x128xf32, #tpu.memory_space<vmem>>, vector<16x128xf32>
      tpu.vector_store %arg12[%swap3A, %swap3A_67], %add3A_66 {strides = array<i32>} : memref<16x128xf32, #tpu.memory_space<vmem>>, vector<16x128xf32>,
      %get3A_69 = arith.constant 0 : index
      %get3A_70 = arith.constant 0 : index
      %get3A_71 = vector.load %arg13[%get3A_69, %get3A_70] : memref<16x128xf32, #tpu.memory_space<vmem>>, vector<16x128xf32>
      %add3A_72 = arith.addf %get3A_71, %dot_general3A_49 : vector<16x128xf32>
      %swap3A_73 = arith.constant 0 : index
      %swap3A_74 = arith.constant 0 : index
      %swap3A_75 = vector.load %arg13[%swap3A_73, %swap3A_74] : memref<16x128xf32, #tpu.memory_space<vmem>>, vector<16x128xf32>
      tpu.vector_store %arg13[%swap3A_73, %swap3A_74], %add3A_72 {strides = array<i32>} : memref<16x128xf32, #tpu.memory_space<vmem>>, vector<16x128xf32>,
    } else {
    }
    %eq3A_58 = arith.constant 4 : i32
    %eq3A_59 = arith.cmpi eq, %arg0, %eq3A_58 : i32
    %convert_element_type3A_60 = arith.extui %eq3A_59 : i1 to i32
    %cond3A_61 = arith.constant 0 : i32
    %cond3A_62 = arith.cmpi ne, %convert_element_type3A_60, %cond3A_61 : i32
    scf.if %cond3A_62 {
      %get3A_63 = arith.constant 0 : index
      %get3A_64 = arith.constant 0 : index
      %get3A_65 = vector.load %arg12[%get3A_63, %get3A_64] : memref<16x128xf32, #tpu.memory_space<vmem>>, vector<16x128xf32>
      %get3A_66 = arith.constant 0 : index
      %get3A_67 = arith.constant 0 : index
      %get3A_68 = vector.load %arg13[%get3A_66, %get3A_67] : memref<16x128xf32, #tpu.memory_space<vmem>>, vector<16x128xf32>
      %max3A_69 = arith.constant 1.000000e+00 : f32
      %max3A_70 = vector.broadcast %max3A_69 : f32 to vector<16x128xf32>
      %max3A_71 = arith.maximumf %get3A_68, %max3A_70 : vector<16x128xf32>
      %div3A_72 = arith.divf %get3A_65, %max3A_71 : vector<16x128xf32>
      %get3A_73 = arith.constant 0 : index
      %get3A_74 = arith.constant 0 : index
      %get3A_75 = vector.load %arg9[%get3A_73, %get3A_74] : memref<1x128xf32, #tpu.memory_space<vmem>>, vector<1x128xf32>
      %mul3A = vector.broadcast %get3A_75 : vector<1x128xf32> to vector<16x128xf32>
      %mul3A_76 = arith.mulf %div3A_72, %mul3A : vector<16x128xf32>
      %reduce_sum3A_77 = arith.constant dense<0.000000e+00> : vector<16xf32>
      %reduce_sum3A_78 = vector.multi_reduction <add>, %mul3A_76, %reduce_sum3A_77 [1] : vector<16x128xf32> to vector<16xf32>
      %get3A_79 = arith.constant 0 : index
      %get3A_80 = memref.load %arg10[%get3A_79] : memref<1xf32, #tpu.memory_space<smem>>
      %add3A_81 = vector.broadcast %get3A_80 : f32 to vector<16xf32>
      %add3A_82 = arith.addf %reduce_sum3A_78, %add3A_81 : vector<16xf32>
      %swap3A = arith.constant 0 : index
      %swap3A_83 = vector.load %arg11[%swap3A] : memref<16xf32, #tpu.memory_space<vmem>>, vector<16xf32>
      tpu.vector_store %arg11[%swap3A], %add3A_82 {strides = array<i32>} : memref<16xf32, #tpu.memory_space<vmem>>, vector<16xf32>,
    } else {
    }
    return
  }
  func.func @transform_0(%arg0: i32) -> (i32, i32, i32) {
    %c0_i32 = arith.constant 0 : i32
    %c0_i32_0 = arith.constant 0 : i32
    %c0_i32_1 = arith.constant 0 : i32
    return %c0_i32, %arg0, %c0_i32_0 : i32, i32, i32
  }
  func.func @transform_1(%arg0: i32) -> (i32, i32, i32) {
    %c1_i32 = arith.constant 1 : i32
    %c0_i32 = arith.constant 0 : i32
    %c0_i32_0 = arith.constant 0 : i32
    return %c1_i32, %arg0, %c0_i32 : i32, i32, i32
  }
  func.func @transform_2(%arg0: i32) -> (i32, i32) {
    %c0_i32 = arith.constant 0 : i32
    %c0_i32_0 = arith.constant 0 : i32
    return %arg0, %c0_i32 : i32, i32
  }
  func.func @transform_3(%arg0: i32) -> (i32, i32) {
    %c0_i32 = arith.constant 0 : i32
    %c0_i32_0 = arith.constant 0 : i32
    return %arg0, %c0_i32 : i32, i32
  }
  func.func @transform_4(%arg0: i32) -> (i32, i32, i32) {
    %c0_i32 = arith.constant 0 : i32
    %c0_i32_0 = arith.constant 0 : i32
    %c0_i32_1 = arith.constant 0 : i32
    return %arg0, %c0_i32, %c0_i32_0 : i32, i32, i32
  }
  func.func @transform_5(%arg0: i32) -> (i32, i32) {
    %c0_i32 = arith.constant 0 : i32
    %c0_i32_0 = arith.constant 0 : i32
    %c0_i32_1 = arith.constant 0 : i32
    return %c0_i32, %c0_i32_0 : i32, i32
  }
  func.func @transform_6(%arg0: i32) -> i32 {
    %c0_i32 = arith.constant 0 : i32
    %c0_i32_0 = arith.constant 0 : i32
    return %c0_i32 : i32
  }
  func.func @transform_7(%arg0: i32) -> (i32, i32) {
    %c0_i32 = arith.constant 0 : i32
    %c0_i32_0 = arith.constant 0 : i32
    %c0_i32_1 = arith.constant 0 : i32
    return %c0_i32, %c0_i32_0 : i32, i32
  }
  func.func @transform_8(%arg0: i32) -> (i32, i32) {
    %c0_i32 = arith.constant 0 : i32
    %c0_i32_0 = arith.constant 0 : i32
    %c0_i32_1 = arith.constant 0 : i32
    return %c0_i32, %c0_i32_0 : i32, i32
  }
  func.func @transform_9(%arg0: i32) -> i32 {
    %c0_i32 = arith.constant 0 : i32
    %c0_i32_0 = arith.constant 0 : i32
    return %c0_i32 : i32
  }
  func.func @transform_10(%arg0: i32) -> i32 {
    %c0_i32 = arith.constant 0 : i32
    %c0_i32_0 = arith.constant 0 : i32
    return %c0_i32 : i32
  }
}

</mosaic_0001>

<sc_bundles>
// kernel: kernel.6.cloned.1.call-start
scs
__scs_entry_jumppad:
0x0: {  	(pc) =	sbr.rel $0x88, $3  }
0x1: {  	(tag) =	ssettag $0x0;
	lr =	simm.s32 $0x1  }
0x2: {  	[smem:$0x3F96] =	sst lr;
	_ =	strace $0xD0000000  }
0x3: {  	_ = 	snop  }
0x4: {  	_ = 	snop  }
0x5: {  	_ = 	snop  }
0x6: {  	_ = 	snop  }
0x7: {  	_ = 	snop  }
__scs_overlays_trampoline_lowered:
0x8: {  	[smem:$0x3FA5] =	sst s0  }
0x9: {  	[smem:$0x3FA6] =	sst s1  }
0xa: {  	[smem:$0x3FA7] =	sst s2  }
0xb: {  	[smem:$0x3FA8] =	sst s3  }
0xc: {  	[smem:$0x3FA9] =	sst s4  }
0xd: {  	[smem:$0x3FAA] =	sst s5  }
0xe: {  	[smem:$0x3FAB] =	sst s6  }
0xf: {  	[smem:$0x3FAC] =	sst s7  }
0x10: {  	[smem:$0x3FAD] =	sst s8  }
0x11: {  	[smem:$0x3FAE] =	sst s9;
	s0 =	simm.s32 @!p0 $0x0  }
0x12: {  	s1 =	sld [smem:$0x3F94];
	s0 =	simm.s32 @p0 $0x1  }
0x13: {  	[smem:$0x3FAF] =	sst s0;
	s0 =	simm.s32 @!p1 $0x0  }
0x14: {  	s2 =	sld [smem:$0x3F93];
	s0 =	simm.s32 @p1 $0x1  }
0x15: {  	[smem:$0x3FB0] =	sst s0;
	s0 =	simm.s32 @!p2 $0x0  }
0x16: {  	s3 =	sld [smem:$0x3FDB];
	s0 =	simm.s32 @p2 $0x1  }
0x17: {  	s4 =	simm.s32 $0x1BF5;
	[smem:$0x3FB2] =	sst s0  }
0x18: {  	s0 =	sld [smem:$0x3F95];
	_ =	swait.ge [sflag:s4], $0x0  }
0x19: {  	s7 =	sld [smem:$0x3F96]  }
0x1a: {  	s8 =	sadd.s32 $0xFFFFE003, lr  }
0x1b: {  	s9 =	sadd.s32 $0xFFFFFEF7, lr;
	s5 =	simm.s32 $0xFFFFFFFF;
	p2 =	slt.u32 s8, $0xFFFFF086  }
0x1c: {  	p1 =	slt.u32 s9, $0xF7A;
	s5 =	simm.s32 @!p2 $0x0  }
0x1d: {  	s5 =	simm.s32 @p1 $0x1;
	p0 =	seq.s32 s7, s2  }
0x1e: {  	s7 =	smul.u32 @!p0 $0xF7A, s2;
	p2 =	seq.s32 @!p0 s5, $0x0  }
0x1f: {  	s9 =	smul.u32 $0xF7A, s1;
	s8 =	simm.s32 @!p0 $0x1BF5;
	p2 =	por !p2, p0  }
0x20: {  	[sflag:s8] =	ssyncset.s32 @!p0 $0xFFFFF086;
	s6 =	sadd.s32 @!p0 s3, s7;
	s7 =	simm.s32 @!p0 $0x108  }
0x21: {  	s3 =	sadd.s32 s3, s9;
	s6 =	sadd.s32 @!p0 $0x88, s6;
	s7 =	simm.s32 @p2 $0x1082  }
0x22: {  	[simem:s7], [sflag:s8] =	dma.local @!p0 [hbm:s6], $0xF7A  }
0x23: {  	s9 =	sor.u32 $0xD0000000, s2;
	s6 =	simm.s32 $0x108;
	_ =	swait.ge @!p0 [sflag:s8], $0x0  }
0x24: {  	s3 =	sadd.s32 $0x88, s3;
	s6 =	simm.s32 @!p1 $0x1082;
	[sflag:s4] =	ssyncset.s32 $0xFFFFF086  }
0x25: {  	[simem:s6], [sflag:s4] =	dma.local [hbm:s3], $0xF7A  }
0x26: {  	[smem:$0x3F96] =	sst s1;
	(tag) =	ssettag s2;
	_ =	strace s9  }
0x27: {  	s1 =	sld [smem:$0x3FA6]  }
0x28: {  	s2 =	sld [smem:$0x3FA7]  }
0x29: {  	s4 =	sld [smem:$0x3FA9]  }
0x2a: {  	p0 =	seq.s32 s5, $0x0;
	s5 =	sld [smem:$0x3FAA]  }
0x2b: {  	s6 =	sld [smem:$0x3FAB]  }
0x2c: {  	s7 =	sld [smem:$0x3FAC]  }
0x2d: {  	s3 =	simm.s32 $0x108;
	s8 =	sld [smem:$0x3FAD]  }
0x2e: {  	s3 =	simm.s32 @!p0 $0x1082;
	s9 =	sld [smem:$0x3FAE]  }
0x2f: {  	lr =	sadd.s32 s0, s3;
	s0 =	sld [smem:$0x3FA5]  }
0x30: {  	s3 =	sld [smem:$0x3FA8]  }
0x31: {  	[smem:$0x3FB1] =	sst s10  }
0x32: {  	s10 =	sld [smem:$0x3FAF];
	_ =	sdelay $0x3  }
0x33: {  	p0 =	seq.s32 s10, $0x1;
	s10 =	sld [smem:$0x3FB1];
	_ =	sdelay $0x3  }
0x34: {  	[smem:$0x3FB1] =	sst s10  }
0x35: {  	s10 =	sld [smem:$0x3FB0];
	_ =	sdelay $0x3  }
0x36: {  	p1 =	seq.s32 s10, $0x1;
	s10 =	sld [smem:$0x3FB1];
	_ =	sdelay $0x3  }
0x37: {  	[smem:$0x3FB1] =	sst s10  }
0x38: {  	s10 =	sld [smem:$0x3FB2]  }
0x39: {  	_ = 	snop;
	(pc) =	sbr.ind lr, $3  }
0x3a: {  	_ = 	snop  }
0x3b: {  	_ = 	snop  }
0x3c: {  	p2 =	seq.s32 s10, $0x1;
	s10 =	sld [smem:$0x3FB1]  }
0x3d: {  	_ =	shalt  }
0x3e: {  	_ =	shalt  }
0x3f: {  	_ =	shalt  }
0x40: {  	_ =	shalt  }
0x41: {  	_ =	shalt  }
0x42: {  	_ =	shalt  }
0x43: {  	_ =	shalt  }
0x44: {  	_ =	shalt  }
0x45: {  	_ =	shalt  }
0x46: {  	_ =	shalt  }
0x47: {  	_ =	shalt  }
0x48: {  	_ =	shalt  }
0x49: {  	_ =	shalt  }
0x4a: {  	_ =	shalt  }
0x4b: {  	_ =	shalt  }
0x4c: {  	_ =	shalt  }
0x4d: {  	_ =	shalt  }
0x4e: {  	_ =	shalt  }
0x4f: {  	_ =	shalt  }
0x50: {  	_ =	shalt  }
0x51: {  	_ =	shalt  }
0x52: {  	_ =	shalt  }
0x53: {  	_ =	shalt  }
0x54: {  	_ =	shalt  }
0x55: {  	_ =	shalt  }
0x56: {  	_ =	shalt  }
0x57: {  	_ =	shalt  }
0x58: {  	_ =	shalt  }
0x59: {  	_ =	shalt  }
0x5a: {  	_ =	shalt  }
0x5b: {  	_ =	shalt  }
0x5c: {  	_ =	shalt  }
0x5d: {  	_ =	shalt  }
0x5e: {  	_ =	shalt  }
0x5f: {  	_ =	shalt  }
0x60: {  	_ =	shalt  }
0x61: {  	_ =	shalt  }
0x62: {  	_ =	shalt  }
0x63: {  	_ =	shalt  }
0x64: {  	_ =	shalt  }
0x65: {  	_ =	shalt  }
0x66: {  	_ =	shalt  }
0x67: {  	_ =	shalt  }
0x68: {  	_ =	shalt  }
0x69: {  	_ =	shalt  }
0x6a: {  	_ =	shalt  }
0x6b: {  	_ =	shalt  }
0x6c: {  	_ =	shalt  }
0x6d: {  	_ =	shalt  }
0x6e: {  	_ =	shalt  }
0x6f: {  	_ =	shalt  }
0x70: {  	_ =	shalt  }
0x71: {  	_ =	shalt  }
0x72: {  	_ =	shalt  }
0x73: {  	_ =	shalt  }
0x74: {  	_ =	shalt  }
0x75: {  	_ =	shalt  }
0x76: {  	_ =	shalt  }
0x77: {  	_ =	shalt  }
0x78: {  	_ =	shalt  }
0x79: {  	_ =	shalt  }
0x7a: {  	_ =	shalt  }
0x7b: {  	_ =	shalt  }
0x7c: {  	_ =	shalt  }
0x7d: {  	_ =	shalt  }
0x7e: {  	_ =	shalt  }
0x7f: {  	_ =	shalt  }
0x80: {  	_ =	shalt  }
0x81: {  	_ =	shalt  }
0x82: {  	_ =	shalt  }
0x83: {  	_ =	shalt  }
0x84: {  	_ =	shalt  }
0x85: {  	_ =	shalt  }
0x86: {  	_ =	shalt  }
0x87: {  	_ =	shalt  }
.Lfunc_end0:
.L_simem_size_0:
called_computation_lowered:
.L_overlay_start_0:
0x88: {  	s2 =	sld [smem:$0x3FD9]  }
0x89: {  	s3 =	sld [smem:$0x3FFE];
	_ =	sdelay $0x1  }
0x8a: {  	s1 =	srdreg.scid  }
0x8b: {  	s0 =	sand.u32 $0x1, s1  }
0x8c: {  	s17 =	sshll.u32 s0, $0xA;
	s2 =	sadd.s32 s3, s2  }
0x8d: {  	s2 =	sadd.s32 s2, s17  }
0x8e: {  	[smem:$0x3FBD] =	sst s2  }
0x8f: {  	_ = 	snop  }
0x90: {  	s2 =	sld [smem:$0x3FC9]  }
0x91: {  	s18 =	sld [smem:$0x3FD0];
	(tm) =	ssettm $0x1  }
0x92: {  	s4 =	sld [smem:$0x3FFB];
	_ =	sdelay $0x3  }
0x93: {  	_ =	strace s4  }
0x94: {  	s4 =	sld [smem:$0x3FFC];
	_ =	sdelay $0x3  }
0x95: {  	_ =	strace s4  }
0x96: {  	s4 =	sld [smem:$0x3FFD];
	_ =	sdelay $0x3  }
0x97: {  	_ =	strace s4  }
0x98: {  	_ =	strace $0x8FFFFFFF  }
0x99: {  	s19 =	sld [smem:$0x3FDB];
	_ =	sdelay $0x1  }
0x9a: {  	s5 =	simm.s32 $_scs_section_size  }
0x9b: {  	s6 =	simm.s32 $_size__tile_overlayer_lowered;
	s7 =	simm.s32 $_tile_overlayer_lowered  }
0x9c: {  	s22 =	simm.s32 $0x1BFF;
	s21 =	sshll.u32 s7, $0x1;
	s4 =	sadd.s32 s5, s19  }
0x9d: {  	s8 =	simm.s32 $0x0;
	s20 =	sshll.u32 s6, $0x1;
	s6 =	sadd.s32 s21, s4  }
0x9e: {  	[timem:s8], [sflag:s22] =	dma.local [hbm:s6], s20  }
0x9f: {  	_ =	swait.ge [sflag:s22], s20  }
0xa0: {  	s5 =	ssub.s32 $0x0, s20;
	[sflag:s22] =	ssyncset.done $0x0  }
0xa1: {  	[sflag:s22] =	ssyncadd.s32 s5;
	_ =	sdelay $0x1  }
0xa2: {  	s23 =	simm.s32 $0x1B8B  }
0xa3: {  	_ =	swait.ge [sflag:s23], $0x1  }
0xa4: {  	[sflag:s23] =	ssyncset.done $0x0  }
0xa5: {  	s25 =	simm.s32 $0x1B8E;
	s24 =	sld [smem:$0x3FFE];
	[sflag:s23] =	ssyncadd.s32 $0xFFFFFFFF  }
0xa6: {  	s26 =	simm.s32 $execute0_lowered;
	[smem:$0x3FD2] =	sst s25  }
0xa7: {  	s6 =	sshll.u32 s26, $0x1;
	_ =	strace $0x80000046;
	[dreg:$0x1] =	wrdreg $0xFFFFFFFF  }
0xa8: {  	s28 =	simm.s32 $_size_execute0_lowered;
	s4 =	sadd.s32 s4, s6;
	[dreg:$0x0] =	wrdreg $0x0  }
0xa9: {  	s6 =	sshll.u32 s28, $0x1;
	[dreg:$0x2] =	wrdreg s4  }
0xaa: {  	[dreg:$0x3] =	wrdreg s6  }
0xab: {  	[dreg:$0x4] =	wrdreg $0xC0  }
0xac: {  	_ =	task [dreg:s8], $0x5FFFF  }
0xad: {  	[dreg:$0x1] =	wrdreg $0xFFFFFFFF  }
0xae: {  	[dreg:$0x0] =	wrdreg $0x60  }
0xaf: {  	[dreg:$0x2] =	wrdreg s2  }
0xb0: {  	[dreg:$0x3] =	wrdreg s24  }
0xb1: {  	[dreg:$0x4] =	wrdreg s18  }
0xb2: {  	[dreg:$0x5] =	wrdreg $0x84800  }
0xb3: {  	[dreg:$0x6] =	wrdreg $0x1C4800  }
0xb4: {  	[dreg:$0x7] =	wrdreg $0x9  }
0xb5: {  	_ =	task.clear_ibuf [dreg:s8], $0x8FFFF;
	_ =	strace $0x90000046  }
0xb6: {  	s29 =	simm.s32 $0x9;
	_ =	strace $0x80000048  }
0xb7: {  	_ =	swait.ge [sflag:s29], $0x1  }
0xb8: {  	[sflag:s29] =	ssyncadd.s32 $0xFFFFFFFF  }
0xb9: {  	_ =	strace $0x90000048  }
0xba: {  	_ =	sfence  }
0xbb: {  	s30 =	sld [smem:$0x0];
	_ =	sdelay $0x2  }
0xbc: {  	s31 =	sshll.u32 s1, $0xD;
	s1 =	sshrl.u32 s1, $0x2  }
0xbd: {  	s3 =	sand.u32 $0x4000, s31;
	s1 =	sadd.s32 s1, s30  }
0xbe: {  	s0 =	sor.u32 s3, s0;
	s1 =	sshll.u32 s1, $0x11  }
0xbf: {  	s0 =	sor.u32 s1, s0  }
0xc0: {  	s0 =	sadd.s32 $0x8F2B, s0  }
0xc1: {  	[sflag:s0] =	ssyncadd.remote.s32 $0x1  }
0xc2: {  	_ =	sfence.sel $0xFFFF  }
0xc3: {  	[dreg:$0x0] =	wrdreg $0xFFFFFFFF;
	(pc) =	sbr.abs _section_cstart, $3  }
0xc4: {  	[dreg:$0x1] =	wrdreg $0xFFFFFFFF  }
0xc5: {  	_ =	task.clear_ibuf [dreg:s8], $0x2FFFF;
	_ =	strace $0x9FFFFFFF  }
0xc6: {  	(tm) =	ssettm $0x7FFFFFFF  }
0xc7: {  	_ =	shalt  }
tec
execute0_lowered:
.L_overlay_start_1:
0x0: {  	(tag) =	ssettag $0x1  }
0x1: {  	s0 =	rddreg [dreg:$0x0]  }
0x2: {  	s1 =	rddreg [dreg:$0x1]  }
0x3: {  	s4 =	rddreg [dreg:$0x3]  }
0x4: {  	s2 =	srdreg.scid;
	s5 =	rddreg [dreg:$0x4]  }
0x5: {  	s8 =	stileid.u32;
	s6 =	simm.s32 $0x0;
	s21 =	simm.s32 $0x2  }
0x6: {  	s22 =	simm.s32 $0x80;
	s23 =	simm.s32 $0x400;
	s7 =	smul.u32 $0x14000, s8  }
0x7: {  	s28 =	simm.s32 $0x280;
	s31 =	simm.s32 $0x0;
	s9 =	smul.u32 $0x500, s8  }
0x8: {  	s2 =	sand.u32 $0x1, s2;
	[smem:$0x7FF] =	sst s6;
	s12 =	smul.u32 $0x50000, s8  }
0x9: {  	s15 =	sadd.s32 $0x2400, s1;
	s24 =	sadd.s32 $0x16000, s1;
	s29 =	smul.u32 $0xA00, s8  }
0xa: {  	s25 =	sadd.s32 $0x18800, s1;
	s14 =	sshll.u32 s8, $0x6;
	s16 =	smul.u32 $0x4F00, s8  }
0xb: {  	s3 =	smul.u32 $0x140000, s2;
	_ =	strace $0x80000047;
	[dreg:$0x6] =	wrdreg s24  }
0xc: {  	[dreg:$0x7] =	wrdreg s25;
	s10 =	sshll.u32 s2, $0x7;
	s11 =	sshll.u32 s2, $0x4  }
0xd: {  	s13 =	ssub.s32 $0x2, s2;
	s2 =	smul.u32 $0x4F000, s2;
	s24 =	simm.s32 $0x1  }
0xe: {  	s25 =	simm.s32 $0x180;
	s9 =	sor.u32 s10, s9;
	s26 =	sor.u32 s8, s11  }
0xf: {  	s30 =	sshrl.u32 s13, $0x1;
	s12 =	sshrl.u32 s12, $0x2;
	s11 =	sshrl.u32 s29, $0x2  }
0x10: {  	s3 =	sadd.s32 s7, s3;
	s9 =	sshrl.u32 s9, $0x3;
	s10 =	smul.u32 $0x4F00, s26  }
0x11: {  	s17 =	ssub.s32 s13, s30;
	s18 =	sadd.s32 s12, s4;
	s2 =	sadd.s32 s16, s2  }
0x12: {  	s19 =	sadd.s32 s11, s5;
	s3 =	sshrl.u32 s3, $0x3;
	s2 =	sadd.s32 $0x200, s2  }
0x13: {  	s16 =	sshrl.u32 s18, $0x3;
	s18 =	sshrl.u32 s19, $0x3;
	s19 =	simm.s32 $0x8400  }
0x14: {  	s3 =	sadd.s32 s3, s1;
	s1 =	sadd.s32 s9, s1;
	s9 =	sor.u32 $0x1C03, s14  }
0x15: {  	s10 =	sshrl.u32 s10, $0x3;
	s2 =	sshrl.u32 s2, $0x3;
	s14 =	smax.u32 s17, $0x1  }
0x16: {  	s17 =	simm.s32 $0x3;
	s10 =	sadd.s32 s15, s10;
	s12 =	sadd.s32 $0x19400, s3  }
0x17: {  	s13 =	sadd.s32 $0x18A00, s1;
	s15 =	sadd.s32 s2, s15;
	s11 =	sadd.s32 $0x20, s10  }
.LBB2_1:
0x18: {  	s1 =	rddreg [dreg:$0x6]  }
0x19: {  	[spmem:s16], [sflag:s9] =	dma.local [hbm:s1], $0x2800  }
0x1a: {  	_ =	swait.ge [sflag:s17], $0x2800  }
0x1b: {  	[sflag:s17] =	ssyncset.done $0x0  }
0x1c: {  	s7 =	rddreg [dreg:$0x7];
	[sflag:s17] =	ssyncadd.s32 $0xFFFFD800  }
0x1d: {  	[spmem:s18], [sflag:s9] =	dma.local [hbm:s7], $0x50  }
0x1e: {  	_ =	swait.ge [sflag:s17], $0x50  }
0x1f: {  	[sflag:s17] =	ssyncset.done $0x0  }
0x20: {  	[sflag:s17] =	ssyncadd.s32 $0xFFFFFFB0  }
0x21: {  	s8 =	rddreg [dreg:$0x2]  }
0x22: {  	[tilespmem:s19], [sflag:$0x3] =	stream.linear.gather [hbm4b:s8+s6], $0x80, $0x38;
	[tilespmem:$0x1C700] =	vst v63  }
0x23: {  	_ =	swait.ge [sflag:s17], $0x80  }
0x24: {  	[sflag:s17] =	ssyncset.done $0x0  }
0x25: {  	[sflag:s17] =	ssyncadd.s32 $0xFFFFFF80  }
0x26: {  	[tilespmem:s6], [sflag:$0x2] =	stream.linear.gather [hbm4b:s10+s6], $0x100, $0x38;
	[tilespmem:$0x1C700] =	vst v63  }
0x27: {  	s20 =	simm.s32 $0x100  }
0x28: {  	[tilespmem:s20], [sflag:$0x2] =	stream.linear.gather [hbm4b:s11+s6], $0x100, $0x38;
	[tilespmem:$0x1C700] =	vst v63  }
0x29: {  	[bflag:$0x0] =	sbarrier.arrive $0xFFFF  }
0x2a: {  	_ =	swait.ge [sflag:s21], $0x100  }
0x2b: {  	[sflag:s21] =	ssyncset.done $0x0  }
0x2c: {  	s26 =	simm.s32 $0x800;
	s2 =	simm.s32 $0x0;
	[sflag:s21] =	ssyncadd.s32 $0xFFFFFF00  }
0x2d: {  	[tilespmem:s23], [sflag:$0x1] =	stream.indirect.gather [hbm4b:s0+s22], $0x80, s6, s22, $0xb8;
	[tilespmem:$0x1C700] =	vst v63  }
0x2e: {  	s3 =	simm.s32 $0x400;
	s1 =	sand.u32 $0xC00, s26;
	_ =	swait.ge [sflag:s21], $0x100  }
0x2f: {  	s2 =	sand.u32 $0x4000, s2;
	s3 =	sand.u32 $0xC00, s3;
	[sflag:s21] =	ssyncset.done $0x0  }
0x30: {  	s3 =	sshrl.u32 s3, $0x2;
	s20 =	sxor.u32 $0x4400, s2;
	[sflag:s21] =	ssyncadd.s32 $0xFFFFFF00  }
0x31: {  	[tilespmem:s20], [sflag:$0x1] =	stream.indirect.gather [hbm4b:s0+s22], $0x80, s3, s22, $0xb8;
	[tilespmem:$0x1C700] =	vst v63  }
0x32: {  	s29 =	simm.s32 $0x0;
	s1 =	sshrl.u32 s1, $0x2  }
0x33: {  	[tilespmem:s1], [sflag:$0x2] =	stream.linear.gather [hbm4b:s15+s6], $0x100, $0x38;
	[tilespmem:$0x1C700] =	vst v63  }
0x34: {  	s30 =	sand.u32 $0xC00, s29;
	_ =	swait.ge [sflag:s24], $0x4000  }
0x35: {  	s1 =	sshrl.u32 s30, $0x2;
	[sflag:s24] =	ssyncset.done $0x0  }
0x36: {  	s2 =	sor.u32 $0x400, s2;
	s1 =	sor.u32 $0x80, s1;
	[sflag:s24] =	ssyncadd.s32 $0xFFFFC000  }
0x37: {  	[spmem:s4] =	stream.indirect.scatter.add.f32 [tilespmem:s2], [sflag:$0x3], $0x80, s1, s22, $0xb8;
	[tilespmem:$0x1C700] =	vst v63  }
0x38: {  	_ =	swait.ge [sflag:s17], $0x4000  }
0x39: {  	[sflag:s17] =	ssyncset.done $0x0  }
0x3a: {  	[sflag:s17] =	ssyncadd.s32 $0xFFFFC000  }
0x3b: {  	[spmem:s5] =	stream.indirect.scatter.add.f32 [tilespmem:s19], [sflag:$0x3], $0x1, s1, s22, $0xb8;
	[tilespmem:$0x1C700] =	vst v63  }
0x3c: {  	s20 =	simm.s32 $0xC00;
	_ =	swait.ge [sflag:s17], $0x80  }
0x3d: {  	s3 =	sadd.s32 $0x20, s15;
	s2 =	simm.s32 $0x1;
	[sflag:s17] =	ssyncset.done $0x0  }
.LBB2_2:
0x3e: {  	s1 =	sand.u32 $0xC00, s20  }
0x3f: {  	[sflag:s17] =	ssyncadd.s32 $0xFFFFFF80;
	s26 =	smov.u32 s20;
	s29 =	sadd.s32 $0x400, s20  }
0x40: {  	s30 =	sshll.u32 s2, $0xE;
	_ =	swait.ge [sflag:s21], $0x100;
	s7 =	sadd.s32 $0xFFFFFC00, s26  }
0x41: {  	s30 =	sand.u32 $0x4000, s30;
	[sflag:s21] =	ssyncset.done $0x0;
	s7 =	sand.u32 $0xC00, s7  }
0x42: {  	s8 =	sxor.u32 $0x4400, s30;
	[sflag:s21] =	ssyncadd.s32 $0xFFFFFF00;
	s7 =	sshrl.u32 s7, $0x2  }
0x43: {  	[tilespmem:s8], [sflag:$0x1] =	stream.indirect.gather [hbm4b:s0+s22], $0x80, s7, s22, $0xb8;
	[tilespmem:$0x1C700] =	vst v63  }
0x44: {  	p0 =	sne.s32 s20, $0x13800;
	s1 =	sshrl.u32 s1, $0x2;
	s7 =	sadd.s32 $0xFFFFF800, s26  }
0x45: {  	[tilespmem:s1], [sflag:$0x2] =	stream.linear.gather [hbm4b:s3+s6], $0x100, $0x38;
	[tilespmem:$0x1C700] =	vst v63  }
0x46: {  	s1 =	sand.u32 $0xC00, s7;
	_ =	swait.ge [sflag:s24], $0x4000  }
0x47: {  	s7 =	sshrl.u32 s1, $0x2;
	[sflag:s24] =	ssyncset.done $0x0  }
0x48: {  	s8 =	sor.u32 $0x400, s30;
	s7 =	sor.u32 $0x80, s7;
	[sflag:s24] =	ssyncadd.s32 $0xFFFFC000  }
0x49: {  	[spmem:s4] =	stream.indirect.scatter.add.f32 [tilespmem:s8], [sflag:$0x3], $0x80, s7, s22, $0xb8;
	[tilespmem:$0x1C700] =	vst v63  }
0x4a: {  	_ =	swait.ge [sflag:s17], $0x4000  }
.Ltmp0:
0x4b: {  	[sflag:s17] =	ssyncset.done $0x0;
	(pc) =	sbr.rel @p0 .LBB2_2-.Ltmp0, $4  }
0x4c: {  	[sflag:s17] =	ssyncadd.s32 $0xFFFFC000  }
0x4d: {  	[spmem:s5] =	stream.indirect.scatter.add.f32 [tilespmem:s19], [sflag:$0x3], $0x1, s7, s22, $0xb8;
	[tilespmem:$0x1C700] =	vst v63  }
0x4e: {  	s2 =	sadd.s32 $0x1, s2;
	_ =	swait.ge [sflag:s17], $0x80  }
0x4f: {  	s20 =	smov.u32 s29;
	s3 =	sadd.s32 $0x20, s3;
	[sflag:s17] =	ssyncset.done $0x0  }
0x50: {  	[sflag:s17] =	ssyncadd.s32 $0xFFFFFF80  }
0x51: {  	_ =	swait.ge [sflag:s21], $0x100  }
0x52: {  	s1 =	sxor.u32 $0x800, s1;
	[sflag:s21] =	ssyncset.done $0x0  }
0x53: {  	s1 =	sshrl.u32 s1, $0x2;
	[sflag:s21] =	ssyncadd.s32 $0xFFFFFF00  }
0x54: {  	[tilespmem:s23], [sflag:$0x1] =	stream.indirect.gather [hbm4b:s0+s22], $0x80, s1, s22, $0xb8;
	[tilespmem:$0x1C700] =	vst v63  }
0x55: {  	_ =	swait.ge [sflag:s24], $0x4000  }
0x56: {  	[sflag:s24] =	ssyncset.done $0x0  }
0x57: {  	s29 =	simm.s32 $0x4400;
	[sflag:s24] =	ssyncadd.s32 $0xFFFFC000  }
0x58: {  	[spmem:s4] =	stream.indirect.scatter.add.f32 [tilespmem:s29], [sflag:$0x3], $0x80, s25, s22, $0xb8;
	[tilespmem:$0x1C700] =	vst v63  }
0x59: {  	_ =	swait.ge [sflag:s17], $0x4000  }
0x5a: {  	[sflag:s17] =	ssyncset.done $0x0  }
0x5b: {  	[sflag:s17] =	ssyncadd.s32 $0xFFFFC000  }
0x5c: {  	[spmem:s5] =	stream.indirect.scatter.add.f32 [tilespmem:s19], [sflag:$0x3], $0x1, s25, s22, $0xb8;
	[tilespmem:$0x1C700] =	vst v63  }
0x5d: {  	_ =	swait.ge [sflag:s17], $0x80  }
0x5e: {  	[sflag:s17] =	ssyncset.done $0x0  }
0x5f: {  	[sflag:s17] =	ssyncadd.s32 $0xFFFFFF80  }
0x60: {  	_ =	swait.ge [sflag:s24], $0x4000  }
0x61: {  	[sflag:s24] =	ssyncset.done $0x0  }
0x62: {  	[sflag:s24] =	ssyncadd.s32 $0xFFFFC000  }
0x63: {  	[spmem:s4] =	stream.indirect.scatter.add.f32 [tilespmem:s23], [sflag:$0x3], $0x80, s28, s22, $0xb8;
	[tilespmem:$0x1C700] =	vst v63  }
0x64: {  	_ =	swait.ge [sflag:s17], $0x4000  }
0x65: {  	[sflag:s17] =	ssyncset.done $0x0  }
0x66: {  	[sflag:s17] =	ssyncadd.s32 $0xFFFFC000  }
0x67: {  	[spmem:s5] =	stream.indirect.scatter.add.f32 [tilespmem:s19], [sflag:$0x3], $0x1, s28, s22, $0xb8;
	[tilespmem:$0x1C700] =	vst v63  }
0x68: {  	_ =	swait.ge [sflag:s17], $0x80  }
0x69: {  	[sflag:s17] =	ssyncset.done $0x0  }
0x6a: {  	[sflag:s17] =	ssyncadd.s32 $0xFFFFFF80  }
0x6b: {  	[bflag:$0x0] =	sbarrier.arrive $0xFFFF  }
0x6c: {  	[hbm:s12], [sflag:s9] =	dma.local [spmem:s16], $0x2800  }
0x6d: {  	s31 =	sadd.s32 $0x1, s31;
	_ =	swait.ge [sflag:s17], $0x2800  }
0x6e: {  	s30 =	simm.s32 $0x20;
	p0 =	sne.s32 s31, s14;
	[sflag:s17] =	ssyncset.done $0x0  }
.Ltmp1:
0x6f: {  	s2 =	simm.s32 $0x10;
	[sflag:s17] =	ssyncadd.s32 $0xFFFFD800;
	(pc) =	sbr.rel @p0 .LBB2_1-.Ltmp1, $4  }
0x70: {  	[hbm:s13@s30], [sflag:s9] =	dma.strided [spmem:s18@s2], $0x50, s24, $0x10   }
0x71: {  	_ =	swait.ge [sflag:s17], $0x50  }
0x72: {  	[sflag:s17] =	ssyncset.done $0x0  }
0x73: {  	[sflag:s17] =	ssyncadd.s32 $0xFFFFFFB0  }
0x74: {  	_ =	sfence.sel $0x180000  }
0x75: {  	[bflag:$0x0] =	sbarrier.arrive $0xFFFF  }
0x76: {  	_ =	strace $0x90000047  }
0x77: {  	s0 =	stileid.u32;
	[bflag:$0x2] =	sbarrier.arrive $0xFFFF  }
0x78: {  	p0 =	sne.s32 s0, $0x0;
	s0 =	rddreg [dreg:$0x5]  }
0x79: {  	s0 =	sadd.s32 @!p0 $0x100000, s0  }
0x7a: {  	[sflag:s0] =	ssyncadd.tile.s32 @!p0 $0x1;
	_ =	shalt  }
.Lfunc_end2:
_tile_overlayer_lowered:
.L_overlay_start_2:
0x7b: {  	(tag) =	ssettag $0x2  }
0x7c: {  	s0 =	rddreg [dreg:$0x0];
	s2 =	stileid.u32  }
0x7d: {  	s1 =	rddreg [dreg:$0x1];
	p0 =	sne.s32 s2, $0x0  }
0x7e: {  	s3 =	rddreg [dreg:$0x2];
	[bflag:$0x3] =	sbarrier.arrive $0xFFFF;
	s2 =	simm.s32 @!p0 $0x1C03  }
0x7f: {  	[timem:s3], [sflag:s2] =	dma.local @!p0 [hbm:s0], s1  }
0x80: {  	s0 =	simm.s32 @!p0 $0x3  }
0x81: {  	_ =	swait.ge @!p0 [sflag:s0], s1  }
0x82: {  	s1 =	ssub.s32 @!p0 $0x0, s1;
	[sflag:s0] =	ssyncset.done @!p0 $0x0  }
0x83: {  	[sflag:s0] =	ssyncadd.s32 @!p0 s1  }
0x84: {  	[bflag:$0x3] =	sbarrier.arrive $0xFFFF  }
0x85: {  	_ =	shalt  }

// kernel: kernel.9.cloned.1.call-start
scs
__scs_entry_jumppad:
0x0: {  	(pc) =	sbr.rel $0x88, $3  }
0x1: {  	(tag) =	ssettag $0x0;
	lr =	simm.s32 $0x1  }
0x2: {  	[smem:$0x3F96] =	sst lr;
	_ =	strace $0xD0000000  }
0x3: {  	_ = 	snop  }
0x4: {  	_ = 	snop  }
0x5: {  	_ = 	snop  }
0x6: {  	_ = 	snop  }
0x7: {  	_ = 	snop  }
__scs_overlays_trampoline_lowered:
0x8: {  	[smem:$0x3FA5] =	sst s0  }
0x9: {  	[smem:$0x3FA6] =	sst s1  }
0xa: {  	[smem:$0x3FA7] =	sst s2  }
0xb: {  	[smem:$0x3FA8] =	sst s3  }
0xc: {  	[smem:$0x3FA9] =	sst s4  }
0xd: {  	[smem:$0x3FAA] =	sst s5  }
0xe: {  	[smem:$0x3FAB] =	sst s6  }
0xf: {  	[smem:$0x3FAC] =	sst s7  }
0x10: {  	[smem:$0x3FAD] =	sst s8  }
0x11: {  	[smem:$0x3FAE] =	sst s9;
	s0 =	simm.s32 @!p0 $0x0  }
0x12: {  	s1 =	sld [smem:$0x3F94];
	s0 =	simm.s32 @p0 $0x1  }
0x13: {  	[smem:$0x3FAF] =	sst s0;
	s0 =	simm.s32 @!p1 $0x0  }
0x14: {  	s2 =	sld [smem:$0x3F93];
	s0 =	simm.s32 @p1 $0x1  }
0x15: {  	[smem:$0x3FB0] =	sst s0;
	s0 =	simm.s32 @!p2 $0x0  }
0x16: {  	s3 =	sld [smem:$0x3FDB];
	s0 =	simm.s32 @p2 $0x1  }
0x17: {  	s4 =	simm.s32 $0x1BF5;
	[smem:$0x3FB2] =	sst s0  }
0x18: {  	s0 =	sld [smem:$0x3F95];
	_ =	swait.ge [sflag:s4], $0x0  }
0x19: {  	s7 =	sld [smem:$0x3F96]  }
0x1a: {  	s8 =	sadd.s32 $0xFFFFE003, lr  }
0x1b: {  	s9 =	sadd.s32 $0xFFFFFEF7, lr;
	s5 =	simm.s32 $0xFFFFFFFF;
	p2 =	slt.u32 s8, $0xFFFFF086  }
0x1c: {  	p1 =	slt.u32 s9, $0xF7A;
	s5 =	simm.s32 @!p2 $0x0  }
0x1d: {  	s5 =	simm.s32 @p1 $0x1;
	p0 =	seq.s32 s7, s2  }
0x1e: {  	s7 =	smul.u32 @!p0 $0xF7A, s2;
	p2 =	seq.s32 @!p0 s5, $0x0  }
0x1f: {  	s9 =	smul.u32 $0xF7A, s1;
	s8 =	simm.s32 @!p0 $0x1BF5;
	p2 =	por !p2, p0  }
0x20: {  	[sflag:s8] =	ssyncset.s32 @!p0 $0xFFFFF086;
	s6 =	sadd.s32 @!p0 s3, s7;
	s7 =	simm.s32 @!p0 $0x108  }
0x21: {  	s3 =	sadd.s32 s3, s9;
	s6 =	sadd.s32 @!p0 $0x88, s6;
	s7 =	simm.s32 @p2 $0x1082  }
0x22: {  	[simem:s7], [sflag:s8] =	dma.local @!p0 [hbm:s6], $0xF7A  }
0x23: {  	s9 =	sor.u32 $0xD0000000, s2;
	s6 =	simm.s32 $0x108;
	_ =	swait.ge @!p0 [sflag:s8], $0x0  }
0x24: {  	s3 =	sadd.s32 $0x88, s3;
	s6 =	simm.s32 @!p1 $0x1082;
	[sflag:s4] =	ssyncset.s32 $0xFFFFF086  }
0x25: {  	[simem:s6], [sflag:s4] =	dma.local [hbm:s3], $0xF7A  }
0x26: {  	[smem:$0x3F96] =	sst s1;
	(tag) =	ssettag s2;
	_ =	strace s9  }
0x27: {  	s1 =	sld [smem:$0x3FA6]  }
0x28: {  	s2 =	sld [smem:$0x3FA7]  }
0x29: {  	s4 =	sld [smem:$0x3FA9]  }
0x2a: {  	p0 =	seq.s32 s5, $0x0;
	s5 =	sld [smem:$0x3FAA]  }
0x2b: {  	s6 =	sld [smem:$0x3FAB]  }
0x2c: {  	s7 =	sld [smem:$0x3FAC]  }
0x2d: {  	s3 =	simm.s32 $0x108;
	s8 =	sld [smem:$0x3FAD]  }
0x2e: {  	s3 =	simm.s32 @!p0 $0x1082;
	s9 =	sld [smem:$0x3FAE]  }
0x2f: {  	lr =	sadd.s32 s0, s3;
	s0 =	sld [smem:$0x3FA5]  }
0x30: {  	s3 =	sld [smem:$0x3FA8]  }
0x31: {  	[smem:$0x3FB1] =	sst s10  }
0x32: {  	s10 =	sld [smem:$0x3FAF];
	_ =	sdelay $0x3  }
0x33: {  	p0 =	seq.s32 s10, $0x1;
	s10 =	sld [smem:$0x3FB1];
	_ =	sdelay $0x3  }
0x34: {  	[smem:$0x3FB1] =	sst s10  }
0x35: {  	s10 =	sld [smem:$0x3FB0];
	_ =	sdelay $0x3  }
0x36: {  	p1 =	seq.s32 s10, $0x1;
	s10 =	sld [smem:$0x3FB1];
	_ =	sdelay $0x3  }
0x37: {  	[smem:$0x3FB1] =	sst s10  }
0x38: {  	s10 =	sld [smem:$0x3FB2]  }
0x39: {  	_ = 	snop;
	(pc) =	sbr.ind lr, $3  }
0x3a: {  	_ = 	snop  }
0x3b: {  	_ = 	snop  }
0x3c: {  	p2 =	seq.s32 s10, $0x1;
	s10 =	sld [smem:$0x3FB1]  }
0x3d: {  	_ =	shalt  }
0x3e: {  	_ =	shalt  }
0x3f: {  	_ =	shalt  }
0x40: {  	_ =	shalt  }
0x41: {  	_ =	shalt  }
0x42: {  	_ =	shalt  }
0x43: {  	_ =	shalt  }
0x44: {  	_ =	shalt  }
0x45: {  	_ =	shalt  }
0x46: {  	_ =	shalt  }
0x47: {  	_ =	shalt  }
0x48: {  	_ =	shalt  }
0x49: {  	_ =	shalt  }
0x4a: {  	_ =	shalt  }
0x4b: {  	_ =	shalt  }
0x4c: {  	_ =	shalt  }
0x4d: {  	_ =	shalt  }
0x4e: {  	_ =	shalt  }
0x4f: {  	_ =	shalt  }
0x50: {  	_ =	shalt  }
0x51: {  	_ =	shalt  }
0x52: {  	_ =	shalt  }
0x53: {  	_ =	shalt  }
0x54: {  	_ =	shalt  }
0x55: {  	_ =	shalt  }
0x56: {  	_ =	shalt  }
0x57: {  	_ =	shalt  }
0x58: {  	_ =	shalt  }
0x59: {  	_ =	shalt  }
0x5a: {  	_ =	shalt  }
0x5b: {  	_ =	shalt  }
0x5c: {  	_ =	shalt  }
0x5d: {  	_ =	shalt  }
0x5e: {  	_ =	shalt  }
0x5f: {  	_ =	shalt  }
0x60: {  	_ =	shalt  }
0x61: {  	_ =	shalt  }
0x62: {  	_ =	shalt  }
0x63: {  	_ =	shalt  }
0x64: {  	_ =	shalt  }
0x65: {  	_ =	shalt  }
0x66: {  	_ =	shalt  }
0x67: {  	_ =	shalt  }
0x68: {  	_ =	shalt  }
0x69: {  	_ =	shalt  }
0x6a: {  	_ =	shalt  }
0x6b: {  	_ =	shalt  }
0x6c: {  	_ =	shalt  }
0x6d: {  	_ =	shalt  }
0x6e: {  	_ =	shalt  }
0x6f: {  	_ =	shalt  }
0x70: {  	_ =	shalt  }
0x71: {  	_ =	shalt  }
0x72: {  	_ =	shalt  }
0x73: {  	_ =	shalt  }
0x74: {  	_ =	shalt  }
0x75: {  	_ =	shalt  }
0x76: {  	_ =	shalt  }
0x77: {  	_ =	shalt  }
0x78: {  	_ =	shalt  }
0x79: {  	_ =	shalt  }
0x7a: {  	_ =	shalt  }
0x7b: {  	_ =	shalt  }
0x7c: {  	_ =	shalt  }
0x7d: {  	_ =	shalt  }
0x7e: {  	_ =	shalt  }
0x7f: {  	_ =	shalt  }
0x80: {  	_ =	shalt  }
0x81: {  	_ =	shalt  }
0x82: {  	_ =	shalt  }
0x83: {  	_ =	shalt  }
0x84: {  	_ =	shalt  }
0x85: {  	_ =	shalt  }
0x86: {  	_ =	shalt  }
0x87: {  	_ =	shalt  }
.Lfunc_end0:
.L_simem_size_0:
called_computation.1_lowered:
.L_overlay_start_0:
0x88: {  	s2 =	sld [smem:$0x3FD9]  }
0x89: {  	s3 =	sld [smem:$0x3FFE];
	_ =	sdelay $0x1  }
0x8a: {  	s1 =	srdreg.scid  }
0x8b: {  	s0 =	sand.u32 $0x1, s1  }
0x8c: {  	s16 =	sshll.u32 s0, $0xA;
	s2 =	sadd.s32 s3, s2  }
0x8d: {  	s2 =	sadd.s32 s2, s16  }
0x8e: {  	[smem:$0x3FBD] =	sst s2  }
0x8f: {  	_ = 	snop  }
0x90: {  	(tm) =	ssettm $0x1  }
0x91: {  	s17 =	sld [smem:$0x3FFB];
	_ =	sdelay $0x3  }
0x92: {  	_ =	strace s17  }
0x93: {  	s2 =	sld [smem:$0x3FFC];
	_ =	sdelay $0x3  }
0x94: {  	_ =	strace s2  }
0x95: {  	s2 =	sld [smem:$0x3FFD];
	_ =	sdelay $0x3  }
0x96: {  	_ =	strace s2  }
0x97: {  	_ =	strace $0x8FFFFFFF  }
0x98: {  	s18 =	sld [smem:$0x3FDB];
	_ =	sdelay $0x1  }
0x99: {  	s19 =	simm.s32 $_scs_section_size  }
0x9a: {  	s4 =	simm.s32 $_size__tile_overlayer_lowered;
	s5 =	simm.s32 $_tile_overlayer_lowered  }
0x9b: {  	s22 =	simm.s32 $0x1BFF;
	s21 =	sshll.u32 s5, $0x1;
	s2 =	sadd.s32 s19, s18  }
0x9c: {  	s6 =	simm.s32 $0x0;
	s20 =	sshll.u32 s4, $0x1;
	s4 =	sadd.s32 s21, s2  }
0x9d: {  	[timem:s6], [sflag:s22] =	dma.local [hbm:s4], s20  }
0x9e: {  	_ =	swait.ge [sflag:s22], s20  }
0x9f: {  	s3 =	ssub.s32 $0x0, s20;
	[sflag:s22] =	ssyncset.done $0x0  }
0xa0: {  	[sflag:s22] =	ssyncadd.s32 s3;
	_ =	sdelay $0x1  }
0xa1: {  	s23 =	simm.s32 $0x1B8B  }
0xa2: {  	_ =	swait.ge [sflag:s23], $0x1  }
0xa3: {  	[sflag:s23] =	ssyncset.done $0x0  }
0xa4: {  	s25 =	simm.s32 $0x1B8E;
	s24 =	sld [smem:$0x3FFE];
	[sflag:s23] =	ssyncadd.s32 $0xFFFFFFFF  }
0xa5: {  	s26 =	simm.s32 $execute0_lowered;
	[smem:$0x3FD2] =	sst s25  }
0xa6: {  	s4 =	sshll.u32 s26, $0x1;
	_ =	strace $0x80000049;
	[dreg:$0x1] =	wrdreg $0xFFFFFFFF  }
0xa7: {  	s28 =	simm.s32 $_size_execute0_lowered;
	s2 =	sadd.s32 s2, s4;
	[dreg:$0x0] =	wrdreg $0x0  }
0xa8: {  	s4 =	sshll.u32 s28, $0x1;
	[dreg:$0x2] =	wrdreg s2  }
0xa9: {  	[dreg:$0x3] =	wrdreg s4  }
0xaa: {  	[dreg:$0x4] =	wrdreg $0xC0  }
0xab: {  	_ =	task [dreg:s6], $0x5FFFF  }
0xac: {  	[dreg:$0x1] =	wrdreg $0xFFFFFFFF  }
0xad: {  	[dreg:$0x0] =	wrdreg $0x60  }
0xae: {  	[dreg:$0x2] =	wrdreg s24  }
0xaf: {  	[dreg:$0x3] =	wrdreg $0x84000  }
0xb0: {  	[dreg:$0x4] =	wrdreg $0x9  }
0xb1: {  	_ =	task.clear_ibuf [dreg:s6], $0x5FFFF;
	_ =	strace $0x90000049  }
0xb2: {  	s29 =	simm.s32 $0x9;
	_ =	strace $0x8000004B  }
0xb3: {  	_ =	swait.ge [sflag:s29], $0x1  }
0xb4: {  	[sflag:s29] =	ssyncadd.s32 $0xFFFFFFFF  }
0xb5: {  	_ =	strace $0x9000004B  }
0xb6: {  	_ =	sfence  }
0xb7: {  	s30 =	sld [smem:$0x0];
	_ =	sdelay $0x2  }
0xb8: {  	s31 =	sshll.u32 s1, $0xD;
	s1 =	sshrl.u32 s1, $0x2  }
0xb9: {  	s3 =	sand.u32 $0x4000, s31;
	s1 =	sadd.s32 s1, s30  }
0xba: {  	s0 =	sor.u32 s3, s0;
	s1 =	sshll.u32 s1, $0x11  }
0xbb: {  	s0 =	sor.u32 s1, s0  }
0xbc: {  	s0 =	sadd.s32 $0x8F2B, s0  }
0xbd: {  	[sflag:s0] =	ssyncadd.remote.s32 $0x1  }
0xbe: {  	_ =	sfence.sel $0xFFFF  }
0xbf: {  	[dreg:$0x0] =	wrdreg $0xFFFFFFFF;
	(pc) =	sbr.abs _section_cstart, $3  }
0xc0: {  	[dreg:$0x1] =	wrdreg $0xFFFFFFFF  }
0xc1: {  	_ =	task.clear_ibuf [dreg:s6], $0x2FFFF;
	_ =	strace $0x9FFFFFFF  }
0xc2: {  	(tm) =	ssettm $0x7FFFFFFF  }
0xc3: {  	_ =	shalt  }
tec
execute0_lowered:
.L_overlay_start_1:
0x0: {  	(tag) =	ssettag $0x1  }
0x1: {  	s6 =	rddreg [dreg:$0x0]  }
0x2: {  	s1 =	rddreg [dreg:$0x1];
	s3 =	simm.s32 $0x0;
	s2 =	srdreg.scid  }
0x3: {  	s16 =	simm.s32 $0x80;
	s17 =	simm.s32 $0x400;
	s18 =	simm.s32 $0x1  }
0x4: {  	s19 =	simm.s32 $0x180;
	s20 =	simm.s32 $0x4400;
	s7 =	sand.u32 $0x1, s2  }
0x5: {  	s21 =	simm.s32 $0x280;
	s2 =	stileid.u32;
	s5 =	smul.u32 $0x140000, s7  }
0x6: {  	s22 =	simm.s32 $0x0;
	[smem:$0x7FF] =	sst s3;
	s8 =	smul.u32 $0x14000, s2  }
0x7: {  	s4 =	sadd.s32 $0x18800, s6;
	s11 =	sadd.s32 $0x2400, s6;
	s10 =	smul.u32 $0x50000, s2  }
0x8: {  	s9 =	sshll.u32 s7, $0x4;
	s25 =	ssub.s32 $0x2, s7;
	s7 =	smul.u32 $0x4F000, s7  }
0x9: {  	_ =	strace $0x8000004A;
	s13 =	smul.u32 $0x4F00, s2;
	s29 =	sshll.u32 s2, $0x6  }
0xa: {  	s9 =	sor.u32 s2, s9;
	s26 =	sshrl.u32 s25, $0x1;
	s8 =	sadd.s32 s8, s5  }
0xb: {  	s5 =	sadd.s32 $0x16000, s6;
	s9 =	smul.u32 $0x4F00, s9;
	s10 =	sshrl.u32 s10, $0x2  }
0xc: {  	s14 =	ssub.s32 s25, s26;
	s30 =	sadd.s32 s13, s7;
	s7 =	sor.u32 $0x1C03, s29  }
0xd: {  	s8 =	sshrl.u32 s8, $0x3;
	s15 =	sadd.s32 s10, s1;
	s13 =	sadd.s32 $0x200, s30  }
0xe: {  	s10 =	smax.u32 s14, $0x1;
	s14 =	simm.s32 $0x100;
	s12 =	sadd.s32 s8, s6  }
0xf: {  	s28 =	sshrl.u32 s9, $0x3;
	s31 =	sshrl.u32 s13, $0x3;
	s13 =	simm.s32 $0x3  }
0x10: {  	s6 =	sadd.s32 s11, s28;
	s9 =	sadd.s32 $0x3FA00, s12;
	s11 =	sadd.s32 s31, s11  }
0x11: {  	s12 =	sshrl.u32 s15, $0x3;
	s15 =	simm.s32 $0x2;
	s8 =	sadd.s32 $0x20, s6  }
.LBB2_1:
0x12: {  	[spmem:s12], [sflag:s7] =	dma.local [hbm:s5], $0x2800  }
0x13: {  	_ =	swait.ge [sflag:s13], $0x2800  }
0x14: {  	[sflag:s13] =	ssyncset.done $0x0  }
0x15: {  	[sflag:s13] =	ssyncadd.s32 $0xFFFFD800  }
0x16: {  	[tilespmem:s3], [sflag:$0x2] =	stream.linear.gather [hbm4b:s6+s3], $0x100, $0x38;
	[tilespmem:$0x1C400] =	vst v63  }
0x17: {  	_ = 	snop  }
0x18: {  	[tilespmem:s14], [sflag:$0x2] =	stream.linear.gather [hbm4b:s8+s3], $0x100, $0x38;
	[tilespmem:$0x1C400] =	vst v63  }
0x19: {  	[bflag:$0x0] =	sbarrier.arrive $0xFFFF  }
0x1a: {  	_ =	swait.ge [sflag:s15], $0x100  }
0x1b: {  	[sflag:s15] =	ssyncset.done $0x0  }
0x1c: {  	s23 =	simm.s32 $0x800;
	s24 =	simm.s32 $0x0;
	[sflag:s15] =	ssyncadd.s32 $0xFFFFFF00  }
0x1d: {  	[tilespmem:s17], [sflag:$0x1] =	stream.indirect.gather [hbm4b:s4+s16], $0x80, s3, s16, $0xb8;
	[tilespmem:$0x1C400] =	vst v63  }
0x1e: {  	s25 =	simm.s32 $0x400;
	s23 =	sand.u32 $0xC00, s23;
	_ =	swait.ge [sflag:s15], $0x100  }
0x1f: {  	s24 =	sand.u32 $0x4000, s24;
	s25 =	sand.u32 $0xC00, s25;
	[sflag:s15] =	ssyncset.done $0x0  }
0x20: {  	s26 =	sxor.u32 $0x4400, s24;
	s25 =	sshrl.u32 s25, $0x2;
	[sflag:s15] =	ssyncadd.s32 $0xFFFFFF00  }
0x21: {  	[tilespmem:s26], [sflag:$0x1] =	stream.indirect.gather [hbm4b:s4+s16], $0x80, s25, s16, $0xb8;
	[tilespmem:$0x1C400] =	vst v63  }
0x22: {  	s30 =	simm.s32 $0x0;
	s23 =	sshrl.u32 s23, $0x2  }
0x23: {  	[tilespmem:s23], [sflag:$0x2] =	stream.linear.gather [hbm4b:s11+s3], $0x100, $0x38;
	[tilespmem:$0x1C400] =	vst v63  }
0x24: {  	s31 =	sand.u32 $0xC00, s30;
	_ =	swait.ge [sflag:s18], $0x4000  }
0x25: {  	s23 =	sshrl.u32 s31, $0x2;
	[sflag:s18] =	ssyncset.done $0x0  }
0x26: {  	s24 =	sor.u32 $0x400, s24;
	s23 =	sor.u32 $0x80, s23;
	[sflag:s18] =	ssyncadd.s32 $0xFFFFC000  }
0x27: {  	[spmem:s1] =	stream.indirect.scatter.add.f32 [tilespmem:s24], [sflag:$0x3], $0x80, s23, s16, $0xb8;
	[tilespmem:$0x1C400] =	vst v63  }
0x28: {  	s25 =	simm.s32 $0xC00;
	_ =	swait.ge [sflag:s13], $0x4000  }
0x29: {  	s23 =	simm.s32 $0x1;
	s24 =	sadd.s32 $0x20, s11;
	[sflag:s13] =	ssyncset.done $0x0  }
.LBB2_2:
0x2a: {  	s26 =	sand.u32 $0xC00, s25  }
0x2b: {  	[sflag:s13] =	ssyncadd.s32 $0xFFFFC000;
	s28 =	smov.u32 s25;
	s29 =	sadd.s32 $0x400, s25  }
0x2c: {  	s30 =	sshll.u32 s23, $0xE;
	_ =	swait.ge [sflag:s15], $0x100;
	s31 =	sadd.s32 $0xFFFFFC00, s28  }
0x2d: {  	s30 =	sand.u32 $0x4000, s30;
	[sflag:s15] =	ssyncset.done $0x0;
	s31 =	sand.u32 $0xC00, s31  }
0x2e: {  	s0 =	sxor.u32 $0x4400, s30;
	[sflag:s15] =	ssyncadd.s32 $0xFFFFFF00;
	s31 =	sshrl.u32 s31, $0x2  }
0x2f: {  	[tilespmem:s0], [sflag:$0x1] =	stream.indirect.gather [hbm4b:s4+s16], $0x80, s31, s16, $0xb8;
	[tilespmem:$0x1C400] =	vst v63  }
0x30: {  	p0 =	sne.s32 s25, $0x13800;
	s0 =	sshrl.u32 s26, $0x2;
	s26 =	sadd.s32 $0xFFFFF800, s28  }
0x31: {  	[tilespmem:s0], [sflag:$0x2] =	stream.linear.gather [hbm4b:s24+s3], $0x100, $0x38;
	[tilespmem:$0x1C400] =	vst v63  }
0x32: {  	s26 =	sand.u32 $0xC00, s26;
	_ =	swait.ge [sflag:s18], $0x4000  }
.Ltmp0:
0x33: {  	s0 =	sshrl.u32 s26, $0x2;
	[sflag:s18] =	ssyncset.done $0x0;
	(pc) =	sbr.rel @p0 .LBB2_2-.Ltmp0, $4  }
0x34: {  	s25 =	sor.u32 $0x400, s30;
	s0 =	sor.u32 $0x80, s0;
	[sflag:s18] =	ssyncadd.s32 $0xFFFFC000  }
0x35: {  	[spmem:s1] =	stream.indirect.scatter.add.f32 [tilespmem:s25], [sflag:$0x3], $0x80, s0, s16, $0xb8;
	[tilespmem:$0x1C400] =	vst v63  }
0x36: {  	s23 =	sadd.s32 $0x1, s23;
	_ =	swait.ge [sflag:s13], $0x4000  }
0x37: {  	s24 =	sadd.s32 $0x20, s24;
	s25 =	smov.u32 s29;
	[sflag:s13] =	ssyncset.done $0x0  }
0x38: {  	[sflag:s13] =	ssyncadd.s32 $0xFFFFC000  }
0x39: {  	_ =	swait.ge [sflag:s15], $0x100  }
0x3a: {  	s0 =	sxor.u32 $0x800, s26;
	[sflag:s15] =	ssyncset.done $0x0  }
0x3b: {  	s0 =	sshrl.u32 s0, $0x2;
	[sflag:s15] =	ssyncadd.s32 $0xFFFFFF00  }
0x3c: {  	[tilespmem:s17], [sflag:$0x1] =	stream.indirect.gather [hbm4b:s4+s16], $0x80, s0, s16, $0xb8;
	[tilespmem:$0x1C400] =	vst v63  }
0x3d: {  	_ =	swait.ge [sflag:s18], $0x4000  }
0x3e: {  	[sflag:s18] =	ssyncset.done $0x0  }
0x3f: {  	[sflag:s18] =	ssyncadd.s32 $0xFFFFC000  }
0x40: {  	[spmem:s1] =	stream.indirect.scatter.add.f32 [tilespmem:s20], [sflag:$0x3], $0x80, s19, s16, $0xb8;
	[tilespmem:$0x1C400] =	vst v63  }
0x41: {  	_ =	swait.ge [sflag:s13], $0x4000  }
0x42: {  	[sflag:s13] =	ssyncset.done $0x0  }
0x43: {  	[sflag:s13] =	ssyncadd.s32 $0xFFFFC000  }
0x44: {  	_ =	swait.ge [sflag:s18], $0x4000  }
0x45: {  	[sflag:s18] =	ssyncset.done $0x0  }
0x46: {  	[sflag:s18] =	ssyncadd.s32 $0xFFFFC000  }
0x47: {  	[spmem:s1] =	stream.indirect.scatter.add.f32 [tilespmem:s17], [sflag:$0x3], $0x80, s21, s16, $0xb8;
	[tilespmem:$0x1C400] =	vst v63  }
0x48: {  	_ =	swait.ge [sflag:s13], $0x4000  }
0x49: {  	s22 =	sadd.s32 $0x1, s22;
	[sflag:s13] =	ssyncset.done $0x0  }
0x4a: {  	p0 =	sne.s32 s22, s10;
	[sflag:s13] =	ssyncadd.s32 $0xFFFFC000  }
.Ltmp1:
0x4b: {  	[bflag:$0x0] =	sbarrier.arrive $0xFFFF;
	(pc) =	sbr.rel @p0 .LBB2_1-.Ltmp1, $4  }
0x4c: {  	[hbm:s9], [sflag:s7] =	dma.local [spmem:s12], $0x2800  }
0x4d: {  	_ =	swait.ge [sflag:s13], $0x2800  }
0x4e: {  	[sflag:s13] =	ssyncset.done $0x0  }
0x4f: {  	[sflag:s13] =	ssyncadd.s32 $0xFFFFD800  }
0x50: {  	_ =	sfence.sel $0x180000  }
0x51: {  	[bflag:$0x0] =	sbarrier.arrive $0xFFFF  }
0x52: {  	_ =	strace $0x9000004A  }
0x53: {  	[bflag:$0x2] =	sbarrier.arrive $0xFFFF  }
0x54: {  	p0 =	sne.s32 s2, $0x0;
	s0 =	rddreg [dreg:$0x2]  }
0x55: {  	s0 =	sadd.s32 @!p0 $0x100000, s0  }
0x56: {  	[sflag:s0] =	ssyncadd.tile.s32 @!p0 $0x1;
	_ =	shalt  }
.Lfunc_end2:
_tile_overlayer_lowered:
.L_overlay_start_2:
0x57: {  	(tag) =	ssettag $0x2  }
0x58: {  	s0 =	rddreg [dreg:$0x0];
	s2 =	stileid.u32  }
0x59: {  	s1 =	rddreg [dreg:$0x1];
	p0 =	sne.s32 s2, $0x0  }
0x5a: {  	s3 =	rddreg [dreg:$0x2];
	[bflag:$0x3] =	sbarrier.arrive $0xFFFF;
	s2 =	simm.s32 @!p0 $0x1C03  }
0x5b: {  	[timem:s3], [sflag:s2] =	dma.local @!p0 [hbm:s0], s1  }
0x5c: {  	s0 =	simm.s32 @!p0 $0x3  }
0x5d: {  	_ =	swait.ge @!p0 [sflag:s0], s1  }
0x5e: {  	s1 =	ssub.s32 @!p0 $0x0, s1;
	[sflag:s0] =	ssyncset.done @!p0 $0x0  }
0x5f: {  	[sflag:s0] =	ssyncadd.s32 @!p0 s1  }
0x60: {  	[bflag:$0x3] =	sbarrier.arrive $0xFFFF  }
0x61: {  	_ =	shalt  }

</sc_bundles>
